<compile_context>
chip_gen: v7x
topology: tpu7x:2x2x1
jax: 0.10.2.dev20260603
libtpu: 0.0.44.dev20260713+nightly
codegen_flags: <defaults>
</compile_context>

<pallas_src>
import functools

import jax
import jax.numpy as jnp
from jax import lax
from jax.experimental import pallas as pl
from jax.experimental.pallas import tpu as pltpu
from jax.experimental.pallas import tpu_sc as plsc

_B = 16384
_NC, _NS = 2, 16
_NW = _NC * _NS
_CPW = _B // _NW
_CCH = 256
_NCHUNK = _CPW // _CCH
_W = 144
_NPAR = 16
_NCH = 8
_L = 16

_mesh = plsc.VectorSubcoreMesh(core_axis_name="c", subcore_axis_name="s")


@functools.partial(
    pl.kernel,
    mesh=_mesh,
    compiler_params=pltpu.CompilerParams(needs_layout_passes=False),
    out_type=jax.ShapeDtypeStruct((_NW, _L), jnp.float32),
    scratch_types=[
        pltpu.VMEM((_W, _CCH), jnp.float32),
        pltpu.VMEM((_W, _CCH), jnp.float32),
        pltpu.VMEM((_L,), jnp.float32),
        pltpu.SemaphoreType.DMA,
        pltpu.SemaphoreType.DMA,
    ],
)
def _sc_penalty(pt_hbm, out_hbm, buf0, buf1, acc_ref, sem0, sem1):
    wid = lax.axis_index("s") * _NC + lax.axis_index("c")
    base = wid * _CPW
    bufs = [buf0, buf1]
    sems = [sem0, sem1]

    def start_copy(k):
        return pltpu.async_copy(
            pt_hbm.at[pl.ds(0, _W), pl.ds(base + k * _CCH, _CCH)],
            bufs[k % 2],
            sems[k % 2],
        )

    acc = jnp.zeros((_L,), jnp.float32)
    copies = [start_copy(0)]
    for k in range(_NCHUNK):
        if k + 1 < _NCHUNK:
            copies.append(start_copy(k + 1))
        copies[k].wait()
        buf = bufs[k % 2]

        def group_body(g, a, buf=buf):
            sl = pl.ds(g * _L, _L)
            t = None
            for p in range(_NPAR):
                m = buf[_NPAR + _NCH * p, sl]
                for c in range(1, _NCH):
                    m = jnp.maximum(m, buf[_NPAR + _NCH * p + c, sl])
                d = jnp.abs(buf[p, sl] - m)
                t = d if t is None else t + d
            return a + t

        acc = lax.fori_loop(0, _CCH // _L, group_body, acc)

    acc_ref[...] = acc
    pltpu.sync_copy(acc_ref, out_hbm.at[wid])


def kernel(preds):
    partials = _sc_penalty(preds.T)
    return jnp.sum(partials) / preds.shape[0]

# --- scband reference (transcript-rebuilt; emitter-appended) ---
"""Pipeline reference for scband-label-contradiction-penalty-6743098655300 (READ-ONLY COPY).

The authoritative reference and input builder live on the scoring server;
editing this copy changes nothing except your own understanding.
"""

import jax, jax.numpy as jnp
import numpy as np

PENALTY_WEIGHT = 1.0
IS_ABSOLUTE = True
MARGIN = 0.0
PARENTS = np.arange(16, dtype=np.int64)
CHILDREN = np.stack([np.arange(16 + 8 * p, 16 + 8 * p + 8, dtype=np.int64) for p in range(16)], axis=0)


def setup_inputs(seed: int = 0) -> dict:
    key = jax.random.key(seed)
    preds = jax.random.normal(key, (16384, 1000), dtype=jnp.float32)
    return {"preds": preds}


def reference(preds):
    parents = jnp.asarray(PARENTS)
    children = jnp.asarray(CHILDREN)
    # gather parent scores: [B, P]
    parent_scores = jnp.take(preds, parents, axis=1)
    # gather child scores: [B, P, C] via advanced indexing on label axis
    child_scores = preds[:, children]
    child_max = jnp.max(child_scores, axis=2)  # torch.max(..., dim=1)[0] per parent
    contradiction = parent_scores - child_max
    if IS_ABSOLUTE:
        contradiction = jnp.abs(contradiction)
    # MARGIN == 0.0 -> margin filtering branch is skipped (matches torch `if self.margin > 0`)
    contradictions = jnp.sum(contradiction)
    return PENALTY_WEIGHT * contradictions / preds.shape[0]

if __name__ == "__main__":
    import jax
    _d = setup_inputs()
    print(jax.jit(kernel)(*tuple(_d.values())))

</pallas_src>

<mosaic_0001>
#map = affine_map<(d0, d1) -> (0, 0)>
module attributes {stable_mosaic.version = 14 : i64} {
  func.func @_sc_penalty(%arg0: i32, %arg1: i32, %arg2: memref<1000x16384xf32, #tpu.memory_space<hbm>>, %arg3: memref<32x16xf32, #tpu.memory_space<hbm>>, %arg4: memref<144x256xf32, #tpu.memory_space<vmem>>, %arg5: memref<144x256xf32, #tpu.memory_space<vmem>>, %arg6: memref<16xf32, #tpu.memory_space<vmem>>, %arg7: memref<!tpu.dma_semaphore, #tpu.memory_space<semaphore_mem>>, %arg8: memref<!tpu.dma_semaphore, #tpu.memory_space<semaphore_mem>>) attributes {dimension_semantics = [#tpu.dimension_semantics<core_parallel>, #tpu.dimension_semantics<subcore_parallel>], iteration_bounds = array<i64: 2, 16>, scalar_prefetch = 0 : i64, scratch_operands = 5 : i64, tpu.core_type = #tpu.core_type<sc_vector_subcore>, window_params = [{transform_indices = #map}, {transform_indices = #map}]} {
    %mul3A = arith.constant 2 : i32
    %mul3A_0 = arith.muli %arg1, %mul3A : i32
    %add3A = arith.addi %mul3A_0, %arg0 : i32
    %mul3A_1 = arith.constant 512 : i32
    %mul3A_2 = arith.muli %add3A, %mul3A_1 : i32
    %broadcast_in_dim3A = arith.constant 0.000000e+00 : f32
    %broadcast_in_dim3A_3 = vector.broadcast %broadcast_in_dim3A : f32 to vector<16xf32>
    %add3A_4 = arith.constant 0 : i32
    %add3A_5 = arith.addi %mul3A_2, %add3A_4 : i32
    %dma_start3A = arith.constant 0 : i32
    %dma_start3A_6 = tpu.memref_slice %arg2[%dma_start3A, %add3A_5] : memref<1000x16384xf32, #tpu.memory_space<hbm>> -> memref<144x256xf32, #tpu.memory_space<hbm>>
    %dma_start3A_7 = arith.constant 0 : i32
    %dma_start3A_8 = tpu.memref_slice %arg2[%dma_start3A_7, %add3A_5] : memref<1000x16384xf32, #tpu.memory_space<hbm>> -> memref<144x256xf32, #tpu.memory_space<hbm>>
    tpu.enqueue_dma source(%dma_start3A_8 : memref<144x256xf32, #tpu.memory_space<hbm>>) target(%arg4 : memref<144x256xf32, #tpu.memory_space<vmem>>) target_semaphore(%arg7 : memref<!tpu.dma_semaphore, #tpu.memory_space<semaphore_mem>>)
    %add3A_9 = arith.constant 256 : i32
    %add3A_10 = arith.addi %mul3A_2, %add3A_9 : i32
    %dma_start3A_11 = arith.constant 0 : i32
    %dma_start3A_12 = tpu.memref_slice %arg2[%dma_start3A_11, %add3A_10] : memref<1000x16384xf32, #tpu.memory_space<hbm>> -> memref<144x256xf32, #tpu.memory_space<hbm>>
    %dma_start3A_13 = arith.constant 0 : i32
    %dma_start3A_14 = tpu.memref_slice %arg2[%dma_start3A_13, %add3A_10] : memref<1000x16384xf32, #tpu.memory_space<hbm>> -> memref<144x256xf32, #tpu.memory_space<hbm>>
    tpu.enqueue_dma source(%dma_start3A_14 : memref<144x256xf32, #tpu.memory_space<hbm>>) target(%arg5 : memref<144x256xf32, #tpu.memory_space<vmem>>) target_semaphore(%arg8 : memref<!tpu.dma_semaphore, #tpu.memory_space<semaphore_mem>>)
    %dma_wait3A = arith.constant 0 : i32
    %dma_wait3A_15 = tpu.memref_slice %arg2[%dma_wait3A, %add3A_5] : memref<1000x16384xf32, #tpu.memory_space<hbm>> -> memref<144x256xf32, #tpu.memory_space<hbm>>
    %dma_wait3A_16 = arith.constant 0 : i32
    %dma_wait3A_17 = tpu.memref_slice %arg2[%dma_wait3A_16, %add3A_5] : memref<1000x16384xf32, #tpu.memory_space<hbm>> -> memref<144x256xf32, #tpu.memory_space<hbm>>
    tpu.wait_dma2 semaphore(%arg7 : memref<!tpu.dma_semaphore, #tpu.memory_space<semaphore_mem>>) src(%dma_wait3A_17 : memref<144x256xf32, #tpu.memory_space<hbm>>) dst(%arg4 : memref<144x256xf32, #tpu.memory_space<vmem>>)
    %scan3A = arith.constant 0 : i32
    %scan3A_18 = arith.constant 16 : i32
    %scan3A_19 = arith.addi %scan3A, %scan3A_18 : i32
    %scan3A_20 = arith.constant 1 : i32
    %scan3A_21 = scf.for %scan3A_34 = %scan3A to %scan3A_19 step %scan3A_20 iter_args(%scan3A_35 = %broadcast_in_dim3A_3) -> (vector<16xf32>)  : i32 {
      %mul3A_36 = arith.constant 16 : i32
      %mul3A_37 = arith.muli %scan3A_34, %mul3A_36 : i32
      %get3A = arith.constant 16 : i32
      %get3A_38 = arith.index_cast %get3A : i32 to index
      %get3A_39 = arith.index_cast %mul3A_37 : i32 to index
      %get3A_40 = tpu.vector_load %arg4[%get3A_38, %get3A_39] {strides = array<i32>} : memref<144x256xf32, #tpu.memory_space<vmem>>, vector<16xf32>,
      %get3A_41 = arith.constant 17 : i32
      %get3A_42 = arith.index_cast %get3A_41 : i32 to index
      %get3A_43 = arith.index_cast %mul3A_37 : i32 to index
      %get3A_44 = tpu.vector_load %arg4[%get3A_42, %get3A_43] {strides = array<i32>} : memref<144x256xf32, #tpu.memory_space<vmem>>, vector<16xf32>,
      %max3A = arith.maximumf %get3A_40, %get3A_44 : vector<16xf32>
      %get3A_45 = arith.constant 18 : i32
      %get3A_46 = arith.index_cast %get3A_45 : i32 to index
      %get3A_47 = arith.index_cast %mul3A_37 : i32 to index
      %get3A_48 = tpu.vector_load %arg4[%get3A_46, %get3A_47] {strides = array<i32>} : memref<144x256xf32, #tpu.memory_space<vmem>>, vector<16xf32>,
      %max3A_49 = arith.maximumf %max3A, %get3A_48 : vector<16xf32>
      %get3A_50 = arith.constant 19 : i32
      %get3A_51 = arith.index_cast %get3A_50 : i32 to index
      %get3A_52 = arith.index_cast %mul3A_37 : i32 to index
      %get3A_53 = tpu.vector_load %arg4[%get3A_51, %get3A_52] {strides = array<i32>} : memref<144x256xf32, #tpu.memory_space<vmem>>, vector<16xf32>,
      %max3A_54 = arith.maximumf %max3A_49, %get3A_53 : vector<16xf32>
      %get3A_55 = arith.constant 20 : i32
      %get3A_56 = arith.index_cast %get3A_55 : i32 to index
      %get3A_57 = arith.index_cast %mul3A_37 : i32 to index
      %get3A_58 = tpu.vector_load %arg4[%get3A_56, %get3A_57] {strides = array<i32>} : memref<144x256xf32, #tpu.memory_space<vmem>>, vector<16xf32>,
      %max3A_59 = arith.maximumf %max3A_54, %get3A_58 : vector<16xf32>
      %get3A_60 = arith.constant 21 : i32
      %get3A_61 = arith.index_cast %get3A_60 : i32 to index
      %get3A_62 = arith.index_cast %mul3A_37 : i32 to index
      %get3A_63 = tpu.vector_load %arg4[%get3A_61, %get3A_62] {strides = array<i32>} : memref<144x256xf32, #tpu.memory_space<vmem>>, vector<16xf32>,
      %max3A_64 = arith.maximumf %max3A_59, %get3A_63 : vector<16xf32>
      %get3A_65 = arith.constant 22 : i32
      %get3A_66 = arith.index_cast %get3A_65 : i32 to index
      %get3A_67 = arith.index_cast %mul3A_37 : i32 to index
      %get3A_68 = tpu.vector_load %arg4[%get3A_66, %get3A_67] {strides = array<i32>} : memref<144x256xf32, #tpu.memory_space<vmem>>, vector<16xf32>,
      %max3A_69 = arith.maximumf %max3A_64, %get3A_68 : vector<16xf32>
      %get3A_70 = arith.constant 23 : i32
      %get3A_71 = arith.index_cast %get3A_70 : i32 to index
      %get3A_72 = arith.index_cast %mul3A_37 : i32 to index
      %get3A_73 = tpu.vector_load %arg4[%get3A_71, %get3A_72] {strides = array<i32>} : memref<144x256xf32, #tpu.memory_space<vmem>>, vector<16xf32>,
      %max3A_74 = arith.maximumf %max3A_69, %get3A_73 : vector<16xf32>
      %get3A_75 = arith.constant 0 : i32
      %get3A_76 = arith.index_cast %get3A_75 : i32 to index
      %get3A_77 = arith.index_cast %mul3A_37 : i32 to index
      %get3A_78 = tpu.vector_load %arg4[%get3A_76, %get3A_77] {strides = array<i32>} : memref<144x256xf32, #tpu.memory_space<vmem>>, vector<16xf32>,
      %sub3A = arith.subf %get3A_78, %max3A_74 : vector<16xf32>
      %abs3A = math.absf %sub3A : vector<16xf32>
      %get3A_79 = arith.constant 24 : i32
      %get3A_80 = arith.index_cast %get3A_79 : i32 to index
      %get3A_81 = arith.index_cast %mul3A_37 : i32 to index
      %get3A_82 = tpu.vector_load %arg4[%get3A_80, %get3A_81] {strides = array<i32>} : memref<144x256xf32, #tpu.memory_space<vmem>>, vector<16xf32>,
      %get3A_83 = arith.constant 25 : i32
      %get3A_84 = arith.index_cast %get3A_83 : i32 to index
      %get3A_85 = arith.index_cast %mul3A_37 : i32 to index
      %get3A_86 = tpu.vector_load %arg4[%get3A_84, %get3A_85] {strides = array<i32>} : memref<144x256xf32, #tpu.memory_space<vmem>>, vector<16xf32>,
      %max3A_87 = arith.maximumf %get3A_82, %get3A_86 : vector<16xf32>
      %get3A_88 = arith.constant 26 : i32
      %get3A_89 = arith.index_cast %get3A_88 : i32 to index
      %get3A_90 = arith.index_cast %mul3A_37 : i32 to index
      %get3A_91 = tpu.vector_load %arg4[%get3A_89, %get3A_90] {strides = array<i32>} : memref<144x256xf32, #tpu.memory_space<vmem>>, vector<16xf32>,
      %max3A_92 = arith.maximumf %max3A_87, %get3A_91 : vector<16xf32>
      %get3A_93 = arith.constant 27 : i32
      %get3A_94 = arith.index_cast %get3A_93 : i32 to index
      %get3A_95 = arith.index_cast %mul3A_37 : i32 to index
      %get3A_96 = tpu.vector_load %arg4[%get3A_94, %get3A_95] {strides = array<i32>} : memref<144x256xf32, #tpu.memory_space<vmem>>, vector<16xf32>,
      %max3A_97 = arith.maximumf %max3A_92, %get3A_96 : vector<16xf32>
      %get3A_98 = arith.constant 28 : i32
      %get3A_99 = arith.index_cast %get3A_98 : i32 to index
      %get3A_100 = arith.index_cast %mul3A_37 : i32 to index
      %get3A_101 = tpu.vector_load %arg4[%get3A_99, %get3A_100] {strides = array<i32>} : memref<144x256xf32, #tpu.memory_space<vmem>>, vector<16xf32>,
      %max3A_102 = arith.maximumf %max3A_97, %get3A_101 : vector<16xf32>
      %get3A_103 = arith.constant 29 : i32
      %get3A_104 = arith.index_cast %get3A_103 : i32 to index
      %get3A_105 = arith.index_cast %mul3A_37 : i32 to index
      %get3A_106 = tpu.vector_load %arg4[%get3A_104, %get3A_105] {strides = array<i32>} : memref<144x256xf32, #tpu.memory_space<vmem>>, vector<16xf32>,
      %max3A_107 = arith.maximumf %max3A_102, %get3A_106 : vector<16xf32>
      %get3A_108 = arith.constant 30 : i32
      %get3A_109 = arith.index_cast %get3A_108 : i32 to index
      %get3A_110 = arith.index_cast %mul3A_37 : i32 to index
      %get3A_111 = tpu.vector_load %arg4[%get3A_109, %get3A_110] {strides = array<i32>} : memref<144x256xf32, #tpu.memory_space<vmem>>, vector<16xf32>,
      %max3A_112 = arith.maximumf %max3A_107, %get3A_111 : vector<16xf32>
      %get3A_113 = arith.constant 31 : i32
      %get3A_114 = arith.index_cast %get3A_113 : i32 to index
      %get3A_115 = arith.index_cast %mul3A_37 : i32 to index
      %get3A_116 = tpu.vector_load %arg4[%get3A_114, %get3A_115] {strides = array<i32>} : memref<144x256xf32, #tpu.memory_space<vmem>>, vector<16xf32>,
      %max3A_117 = arith.maximumf %max3A_112, %get3A_116 : vector<16xf32>
      %get3A_118 = arith.constant 1 : i32
      %get3A_119 = arith.index_cast %get3A_118 : i32 to index
      %get3A_120 = arith.index_cast %mul3A_37 : i32 to index
      %get3A_121 = tpu.vector_load %arg4[%get3A_119, %get3A_120] {strides = array<i32>} : memref<144x256xf32, #tpu.memory_space<vmem>>, vector<16xf32>,
      %sub3A_122 = arith.subf %get3A_121, %max3A_117 : vector<16xf32>
      %abs3A_123 = math.absf %sub3A_122 : vector<16xf32>
      %add3A_124 = arith.addf %abs3A, %abs3A_123 : vector<16xf32>
      %get3A_125 = arith.constant 32 : i32
      %get3A_126 = arith.index_cast %get3A_125 : i32 to index
      %get3A_127 = arith.index_cast %mul3A_37 : i32 to index
      %get3A_128 = tpu.vector_load %arg4[%get3A_126, %get3A_127] {strides = array<i32>} : memref<144x256xf32, #tpu.memory_space<vmem>>, vector<16xf32>,
      %get3A_129 = arith.constant 33 : i32
      %get3A_130 = arith.index_cast %get3A_129 : i32 to index
      %get3A_131 = arith.index_cast %mul3A_37 : i32 to index
      %get3A_132 = tpu.vector_load %arg4[%get3A_130, %get3A_131] {strides = array<i32>} : memref<144x256xf32, #tpu.memory_space<vmem>>, vector<16xf32>,
      %max3A_133 = arith.maximumf %get3A_128, %get3A_132 : vector<16xf32>
      %get3A_134 = arith.constant 34 : i32
      %get3A_135 = arith.index_cast %get3A_134 : i32 to index
      %get3A_136 = arith.index_cast %mul3A_37 : i32 to index
      %get3A_137 = tpu.vector_load %arg4[%get3A_135, %get3A_136] {strides = array<i32>} : memref<144x256xf32, #tpu.memory_space<vmem>>, vector<16xf32>,
      %max3A_138 = arith.maximumf %max3A_133, %get3A_137 : vector<16xf32>
      %get3A_139 = arith.constant 35 : i32
      %get3A_140 = arith.index_cast %get3A_139 : i32 to index
      %get3A_141 = arith.index_cast %mul3A_37 : i32 to index
      %get3A_142 = tpu.vector_load %arg4[%get3A_140, %get3A_141] {strides = array<i32>} : memref<144x256xf32, #tpu.memory_space<vmem>>, vector<16xf32>,
      %max3A_143 = arith.maximumf %max3A_138, %get3A_142 : vector<16xf32>
      %get3A_144 = arith.constant 36 : i32
      %get3A_145 = arith.index_cast %get3A_144 : i32 to index
      %get3A_146 = arith.index_cast %mul3A_37 : i32 to index
      %get3A_147 = tpu.vector_load %arg4[%get3A_145, %get3A_146] {strides = array<i32>} : memref<144x256xf32, #tpu.memory_space<vmem>>, vector<16xf32>,
      %max3A_148 = arith.maximumf %max3A_143, %get3A_147 : vector<16xf32>
      %get3A_149 = arith.constant 37 : i32
      %get3A_150 = arith.index_cast %get3A_149 : i32 to index
      %get3A_151 = arith.index_cast %mul3A_37 : i32 to index
      %get3A_152 = tpu.vector_load %arg4[%get3A_150, %get3A_151] {strides = array<i32>} : memref<144x256xf32, #tpu.memory_space<vmem>>, vector<16xf32>,
      %max3A_153 = arith.maximumf %max3A_148, %get3A_152 : vector<16xf32>
      %get3A_154 = arith.constant 38 : i32
      %get3A_155 = arith.index_cast %get3A_154 : i32 to index
      %get3A_156 = arith.index_cast %mul3A_37 : i32 to index
      %get3A_157 = tpu.vector_load %arg4[%get3A_155, %get3A_156] {strides = array<i32>} : memref<144x256xf32, #tpu.memory_space<vmem>>, vector<16xf32>,
      %max3A_158 = arith.maximumf %max3A_153, %get3A_157 : vector<16xf32>
      %get3A_159 = arith.constant 39 : i32
      %get3A_160 = arith.index_cast %get3A_159 : i32 to index
      %get3A_161 = arith.index_cast %mul3A_37 : i32 to index
      %get3A_162 = tpu.vector_load %arg4[%get3A_160, %get3A_161] {strides = array<i32>} : memref<144x256xf32, #tpu.memory_space<vmem>>, vector<16xf32>,
      %max3A_163 = arith.maximumf %max3A_158, %get3A_162 : vector<16xf32>
      %get3A_164 = arith.constant 2 : i32
      %get3A_165 = arith.index_cast %get3A_164 : i32 to index
      %get3A_166 = arith.index_cast %mul3A_37 : i32 to index
      %get3A_167 = tpu.vector_load %arg4[%get3A_165, %get3A_166] {strides = array<i32>} : memref<144x256xf32, #tpu.memory_space<vmem>>, vector<16xf32>,
      %sub3A_168 = arith.subf %get3A_167, %max3A_163 : vector<16xf32>
      %abs3A_169 = math.absf %sub3A_168 : vector<16xf32>
      %add3A_170 = arith.addf %add3A_124, %abs3A_169 : vector<16xf32>
      %get3A_171 = arith.constant 40 : i32
      %get3A_172 = arith.index_cast %get3A_171 : i32 to index
      %get3A_173 = arith.index_cast %mul3A_37 : i32 to index
      %get3A_174 = tpu.vector_load %arg4[%get3A_172, %get3A_173] {strides = array<i32>} : memref<144x256xf32, #tpu.memory_space<vmem>>, vector<16xf32>,
      %get3A_175 = arith.constant 41 : i32
      %get3A_176 = arith.index_cast %get3A_175 : i32 to index
      %get3A_177 = arith.index_cast %mul3A_37 : i32 to index
      %get3A_178 = tpu.vector_load %arg4[%get3A_176, %get3A_177] {strides = array<i32>} : memref<144x256xf32, #tpu.memory_space<vmem>>, vector<16xf32>,
      %max3A_179 = arith.maximumf %get3A_174, %get3A_178 : vector<16xf32>
      %get3A_180 = arith.constant 42 : i32
      %get3A_181 = arith.index_cast %get3A_180 : i32 to index
      %get3A_182 = arith.index_cast %mul3A_37 : i32 to index
      %get3A_183 = tpu.vector_load %arg4[%get3A_181, %get3A_182] {strides = array<i32>} : memref<144x256xf32, #tpu.memory_space<vmem>>, vector<16xf32>,
      %max3A_184 = arith.maximumf %max3A_179, %get3A_183 : vector<16xf32>
      %get3A_185 = arith.constant 43 : i32
      %get3A_186 = arith.index_cast %get3A_185 : i32 to index
      %get3A_187 = arith.index_cast %mul3A_37 : i32 to index
      %get3A_188 = tpu.vector_load %arg4[%get3A_186, %get3A_187] {strides = array<i32>} : memref<144x256xf32, #tpu.memory_space<vmem>>, vector<16xf32>,
      %max3A_189 = arith.maximumf %max3A_184, %get3A_188 : vector<16xf32>
      %get3A_190 = arith.constant 44 : i32
      %get3A_191 = arith.index_cast %get3A_190 : i32 to index
      %get3A_192 = arith.index_cast %mul3A_37 : i32 to index
      %get3A_193 = tpu.vector_load %arg4[%get3A_191, %get3A_192] {strides = array<i32>} : memref<144x256xf32, #tpu.memory_space<vmem>>, vector<16xf32>,
      %max3A_194 = arith.maximumf %max3A_189, %get3A_193 : vector<16xf32>
      %get3A_195 = arith.constant 45 : i32
      %get3A_196 = arith.index_cast %get3A_195 : i32 to index
      %get3A_197 = arith.index_cast %mul3A_37 : i32 to index
      %get3A_198 = tpu.vector_load %arg4[%get3A_196, %get3A_197] {strides = array<i32>} : memref<144x256xf32, #tpu.memory_space<vmem>>, vector<16xf32>,
      %max3A_199 = arith.maximumf %max3A_194, %get3A_198 : vector<16xf32>
      %get3A_200 = arith.constant 46 : i32
      %get3A_201 = arith.index_cast %get3A_200 : i32 to index
      %get3A_202 = arith.index_cast %mul3A_37 : i32 to index
      %get3A_203 = tpu.vector_load %arg4[%get3A_201, %get3A_202] {strides = array<i32>} : memref<144x256xf32, #tpu.memory_space<vmem>>, vector<16xf32>,
      %max3A_204 = arith.maximumf %max3A_199, %get3A_203 : vector<16xf32>
      %get3A_205 = arith.constant 47 : i32
      %get3A_206 = arith.index_cast %get3A_205 : i32 to index
      %get3A_207 = arith.index_cast %mul3A_37 : i32 to index
      %get3A_208 = tpu.vector_load %arg4[%get3A_206, %get3A_207] {strides = array<i32>} : memref<144x256xf32, #tpu.memory_space<vmem>>, vector<16xf32>,
      %max3A_209 = arith.maximumf %max3A_204, %get3A_208 : vector<16xf32>
      %get3A_210 = arith.constant 3 : i32
      %get3A_211 = arith.index_cast %get3A_210 : i32 to index
      %get3A_212 = arith.index_cast %mul3A_37 : i32 to index
      %get3A_213 = tpu.vector_load %arg4[%get3A_211, %get3A_212] {strides = array<i32>} : memref<144x256xf32, #tpu.memory_space<vmem>>, vector<16xf32>,
      %sub3A_214 = arith.subf %get3A_213, %max3A_209 : vector<16xf32>
      %abs3A_215 = math.absf %sub3A_214 : vector<16xf32>
      %add3A_216 = arith.addf %add3A_170, %abs3A_215 : vector<16xf32>
      %get3A_217 = arith.constant 48 : i32
      %get3A_218 = arith.index_cast %get3A_217 : i32 to index
      %get3A_219 = arith.index_cast %mul3A_37 : i32 to index
      %get3A_220 = tpu.vector_load %arg4[%get3A_218, %get3A_219] {strides = array<i32>} : memref<144x256xf32, #tpu.memory_space<vmem>>, vector<16xf32>,
      %get3A_221 = arith.constant 49 : i32
      %get3A_222 = arith.index_cast %get3A_221 : i32 to index
      %get3A_223 = arith.index_cast %mul3A_37 : i32 to index
      %get3A_224 = tpu.vector_load %arg4[%get3A_222, %get3A_223] {strides = array<i32>} : memref<144x256xf32, #tpu.memory_space<vmem>>, vector<16xf32>,
      %max3A_225 = arith.maximumf %get3A_220, %get3A_224 : vector<16xf32>
      %get3A_226 = arith.constant 50 : i32
      %get3A_227 = arith.index_cast %get3A_226 : i32 to index
      %get3A_228 = arith.index_cast %mul3A_37 : i32 to index
      %get3A_229 = tpu.vector_load %arg4[%get3A_227, %get3A_228] {strides = array<i32>} : memref<144x256xf32, #tpu.memory_space<vmem>>, vector<16xf32>,
      %max3A_230 = arith.maximumf %max3A_225, %get3A_229 : vector<16xf32>
      %get3A_231 = arith.constant 51 : i32
      %get3A_232 = arith.index_cast %get3A_231 : i32 to index
      %get3A_233 = arith.index_cast %mul3A_37 : i32 to index
      %get3A_234 = tpu.vector_load %arg4[%get3A_232, %get3A_233] {strides = array<i32>} : memref<144x256xf32, #tpu.memory_space<vmem>>, vector<16xf32>,
      %max3A_235 = arith.maximumf %max3A_230, %get3A_234 : vector<16xf32>
      %get3A_236 = arith.constant 52 : i32
      %get3A_237 = arith.index_cast %get3A_236 : i32 to index
      %get3A_238 = arith.index_cast %mul3A_37 : i32 to index
      %get3A_239 = tpu.vector_load %arg4[%get3A_237, %get3A_238] {strides = array<i32>} : memref<144x256xf32, #tpu.memory_space<vmem>>, vector<16xf32>,
      %max3A_240 = arith.maximumf %max3A_235, %get3A_239 : vector<16xf32>
      %get3A_241 = arith.constant 53 : i32
      %get3A_242 = arith.index_cast %get3A_241 : i32 to index
      %get3A_243 = arith.index_cast %mul3A_37 : i32 to index
      %get3A_244 = tpu.vector_load %arg4[%get3A_242, %get3A_243] {strides = array<i32>} : memref<144x256xf32, #tpu.memory_space<vmem>>, vector<16xf32>,
      %max3A_245 = arith.maximumf %max3A_240, %get3A_244 : vector<16xf32>
      %get3A_246 = arith.constant 54 : i32
      %get3A_247 = arith.index_cast %get3A_246 : i32 to index
      %get3A_248 = arith.index_cast %mul3A_37 : i32 to index
      %get3A_249 = tpu.vector_load %arg4[%get3A_247, %get3A_248] {strides = array<i32>} : memref<144x256xf32, #tpu.memory_space<vmem>>, vector<16xf32>,
      %max3A_250 = arith.maximumf %max3A_245, %get3A_249 : vector<16xf32>
      %get3A_251 = arith.constant 55 : i32
      %get3A_252 = arith.index_cast %get3A_251 : i32 to index
      %get3A_253 = arith.index_cast %mul3A_37 : i32 to index
      %get3A_254 = tpu.vector_load %arg4[%get3A_252, %get3A_253] {strides = array<i32>} : memref<144x256xf32, #tpu.memory_space<vmem>>, vector<16xf32>,
      %max3A_255 = arith.maximumf %max3A_250, %get3A_254 : vector<16xf32>
      %get3A_256 = arith.constant 4 : i32
      %get3A_257 = arith.index_cast %get3A_256 : i32 to index
      %get3A_258 = arith.index_cast %mul3A_37 : i32 to index
      %get3A_259 = tpu.vector_load %arg4[%get3A_257, %get3A_258] {strides = array<i32>} : memref<144x256xf32, #tpu.memory_space<vmem>>, vector<16xf32>,
      %sub3A_260 = arith.subf %get3A_259, %max3A_255 : vector<16xf32>
      %abs3A_261 = math.absf %sub3A_260 : vector<16xf32>
      %add3A_262 = arith.addf %add3A_216, %abs3A_261 : vector<16xf32>
      %get3A_263 = arith.constant 56 : i32
      %get3A_264 = arith.index_cast %get3A_263 : i32 to index
      %get3A_265 = arith.index_cast %mul3A_37 : i32 to index
      %get3A_266 = tpu.vector_load %arg4[%get3A_264, %get3A_265] {strides = array<i32>} : memref<144x256xf32, #tpu.memory_space<vmem>>, vector<16xf32>,
      %get3A_267 = arith.constant 57 : i32
      %get3A_268 = arith.index_cast %get3A_267 : i32 to index
      %get3A_269 = arith.index_cast %mul3A_37 : i32 to index
      %get3A_270 = tpu.vector_load %arg4[%get3A_268, %get3A_269] {strides = array<i32>} : memref<144x256xf32, #tpu.memory_space<vmem>>, vector<16xf32>,
      %max3A_271 = arith.maximumf %get3A_266, %get3A_270 : vector<16xf32>
      %get3A_272 = arith.constant 58 : i32
      %get3A_273 = arith.index_cast %get3A_272 : i32 to index
      %get3A_274 = arith.index_cast %mul3A_37 : i32 to index
      %get3A_275 = tpu.vector_load %arg4[%get3A_273, %get3A_274] {strides = array<i32>} : memref<144x256xf32, #tpu.memory_space<vmem>>, vector<16xf32>,
      %max3A_276 = arith.maximumf %max3A_271, %get3A_275 : vector<16xf32>
      %get3A_277 = arith.constant 59 : i32
      %get3A_278 = arith.index_cast %get3A_277 : i32 to index
      %get3A_279 = arith.index_cast %mul3A_37 : i32 to index
      %get3A_280 = tpu.vector_load %arg4[%get3A_278, %get3A_279] {strides = array<i32>} : memref<144x256xf32, #tpu.memory_space<vmem>>, vector<16xf32>,
      %max3A_281 = arith.maximumf %max3A_276, %get3A_280 : vector<16xf32>
      %get3A_282 = arith.constant 60 : i32
      %get3A_283 = arith.index_cast %get3A_282 : i32 to index
      %get3A_284 = arith.index_cast %mul3A_37 : i32 to index
      %get3A_285 = tpu.vector_load %arg4[%get3A_283, %get3A_284] {strides = array<i32>} : memref<144x256xf32, #tpu.memory_space<vmem>>, vector<16xf32>,
      %max3A_286 = arith.maximumf %max3A_281, %get3A_285 : vector<16xf32>
      %get3A_287 = arith.constant 61 : i32
      %get3A_288 = arith.index_cast %get3A_287 : i32 to index
      %get3A_289 = arith.index_cast %mul3A_37 : i32 to index
      %get3A_290 = tpu.vector_load %arg4[%get3A_288, %get3A_289] {strides = array<i32>} : memref<144x256xf32, #tpu.memory_space<vmem>>, vector<16xf32>,
      %max3A_291 = arith.maximumf %max3A_286, %get3A_290 : vector<16xf32>
      %get3A_292 = arith.constant 62 : i32
      %get3A_293 = arith.index_cast %get3A_292 : i32 to index
      %get3A_294 = arith.index_cast %mul3A_37 : i32 to index
      %get3A_295 = tpu.vector_load %arg4[%get3A_293, %get3A_294] {strides = array<i32>} : memref<144x256xf32, #tpu.memory_space<vmem>>, vector<16xf32>,
      %max3A_296 = arith.maximumf %max3A_291, %get3A_295 : vector<16xf32>
      %get3A_297 = arith.constant 63 : i32
      %get3A_298 = arith.index_cast %get3A_297 : i32 to index
      %get3A_299 = arith.index_cast %mul3A_37 : i32 to index
      %get3A_300 = tpu.vector_load %arg4[%get3A_298, %get3A_299] {strides = array<i32>} : memref<144x256xf32, #tpu.memory_space<vmem>>, vector<16xf32>,
      %max3A_301 = arith.maximumf %max3A_296, %get3A_300 : vector<16xf32>
      %get3A_302 = arith.constant 5 : i32
      %get3A_303 = arith.index_cast %get3A_302 : i32 to index
      %get3A_304 = arith.index_cast %mul3A_37 : i32 to index
      %get3A_305 = tpu.vector_load %arg4[%get3A_303, %get3A_304] {strides = array<i32>} : memref<144x256xf32, #tpu.memory_space<vmem>>, vector<16xf32>,
      %sub3A_306 = arith.subf %get3A_305, %max3A_301 : vector<16xf32>
      %abs3A_307 = math.absf %sub3A_306 : vector<16xf32>
      %add3A_308 = arith.addf %add3A_262, %abs3A_307 : vector<16xf32>
      %get3A_309 = arith.constant 64 : i32
      %get3A_310 = arith.index_cast %get3A_309 : i32 to index
      %get3A_311 = arith.index_cast %mul3A_37 : i32 to index
      %get3A_312 = tpu.vector_load %arg4[%get3A_310, %get3A_311] {strides = array<i32>} : memref<144x256xf32, #tpu.memory_space<vmem>>, vector<16xf32>,
      %get3A_313 = arith.constant 65 : i32
      %get3A_314 = arith.index_cast %get3A_313 : i32 to index
      %get3A_315 = arith.index_cast %mul3A_37 : i32 to index
      %get3A_316 = tpu.vector_load %arg4[%get3A_314, %get3A_315] {strides = array<i32>} : memref<144x256xf32, #tpu.memory_space<vmem>>, vector<16xf32>,
      %max3A_317 = arith.maximumf %get3A_312, %get3A_316 : vector<16xf32>
      %get3A_318 = arith.constant 66 : i32
      %get3A_319 = arith.index_cast %get3A_318 : i32 to index
      %get3A_320 = arith.index_cast %mul3A_37 : i32 to index
      %get3A_321 = tpu.vector_load %arg4[%get3A_319, %get3A_320] {strides = array<i32>} : memref<144x256xf32, #tpu.memory_space<vmem>>, vector<16xf32>,
      %max3A_322 = arith.maximumf %max3A_317, %get3A_321 : vector<16xf32>
      %get3A_323 = arith.constant 67 : i32
      %get3A_324 = arith.index_cast %get3A_323 : i32 to index
      %get3A_325 = arith.index_cast %mul3A_37 : i32 to index
      %get3A_326 = tpu.vector_load %arg4[%get3A_324, %get3A_325] {strides = array<i32>} : memref<144x256xf32, #tpu.memory_space<vmem>>, vector<16xf32>,
      %max3A_327 = arith.maximumf %max3A_322, %get3A_326 : vector<16xf32>
      %get3A_328 = arith.constant 68 : i32
      %get3A_329 = arith.index_cast %get3A_328 : i32 to index
      %get3A_330 = arith.index_cast %mul3A_37 : i32 to index
      %get3A_331 = tpu.vector_load %arg4[%get3A_329, %get3A_330] {strides = array<i32>} : memref<144x256xf32, #tpu.memory_space<vmem>>, vector<16xf32>,
      %max3A_332 = arith.maximumf %max3A_327, %get3A_331 : vector<16xf32>
      %get3A_333 = arith.constant 69 : i32
      %get3A_334 = arith.index_cast %get3A_333 : i32 to index
      %get3A_335 = arith.index_cast %mul3A_37 : i32 to index
      %get3A_336 = tpu.vector_load %arg4[%get3A_334, %get3A_335] {strides = array<i32>} : memref<144x256xf32, #tpu.memory_space<vmem>>, vector<16xf32>,
      %max3A_337 = arith.maximumf %max3A_332, %get3A_336 : vector<16xf32>
      %get3A_338 = arith.constant 70 : i32
      %get3A_339 = arith.index_cast %get3A_338 : i32 to index
      %get3A_340 = arith.index_cast %mul3A_37 : i32 to index
      %get3A_341 = tpu.vector_load %arg4[%get3A_339, %get3A_340] {strides = array<i32>} : memref<144x256xf32, #tpu.memory_space<vmem>>, vector<16xf32>,
      %max3A_342 = arith.maximumf %max3A_337, %get3A_341 : vector<16xf32>
      %get3A_343 = arith.constant 71 : i32
      %get3A_344 = arith.index_cast %get3A_343 : i32 to index
      %get3A_345 = arith.index_cast %mul3A_37 : i32 to index
      %get3A_346 = tpu.vector_load %arg4[%get3A_344, %get3A_345] {strides = array<i32>} : memref<144x256xf32, #tpu.memory_space<vmem>>, vector<16xf32>,
      %max3A_347 = arith.maximumf %max3A_342, %get3A_346 : vector<16xf32>
      %get3A_348 = arith.constant 6 : i32
      %get3A_349 = arith.index_cast %get3A_348 : i32 to index
      %get3A_350 = arith.index_cast %mul3A_37 : i32 to index
      %get3A_351 = tpu.vector_load %arg4[%get3A_349, %get3A_350] {strides = array<i32>} : memref<144x256xf32, #tpu.memory_space<vmem>>, vector<16xf32>,
      %sub3A_352 = arith.subf %get3A_351, %max3A_347 : vector<16xf32>
      %abs3A_353 = math.absf %sub3A_352 : vector<16xf32>
      %add3A_354 = arith.addf %add3A_308, %abs3A_353 : vector<16xf32>
      %get3A_355 = arith.constant 72 : i32
      %get3A_356 = arith.index_cast %get3A_355 : i32 to index
      %get3A_357 = arith.index_cast %mul3A_37 : i32 to index
      %get3A_358 = tpu.vector_load %arg4[%get3A_356, %get3A_357] {strides = array<i32>} : memref<144x256xf32, #tpu.memory_space<vmem>>, vector<16xf32>,
      %get3A_359 = arith.constant 73 : i32
      %get3A_360 = arith.index_cast %get3A_359 : i32 to index
      %get3A_361 = arith.index_cast %mul3A_37 : i32 to index
      %get3A_362 = tpu.vector_load %arg4[%get3A_360, %get3A_361] {strides = array<i32>} : memref<144x256xf32, #tpu.memory_space<vmem>>, vector<16xf32>,
      %max3A_363 = arith.maximumf %get3A_358, %get3A_362 : vector<16xf32>
      %get3A_364 = arith.constant 74 : i32
      %get3A_365 = arith.index_cast %get3A_364 : i32 to index
      %get3A_366 = arith.index_cast %mul3A_37 : i32 to index
      %get3A_367 = tpu.vector_load %arg4[%get3A_365, %get3A_366] {strides = array<i32>} : memref<144x256xf32, #tpu.memory_space<vmem>>, vector<16xf32>,
      %max3A_368 = arith.maximumf %max3A_363, %get3A_367 : vector<16xf32>
      %get3A_369 = arith.constant 75 : i32
      %get3A_370 = arith.index_cast %get3A_369 : i32 to index
      %get3A_371 = arith.index_cast %mul3A_37 : i32 to index
      %get3A_372 = tpu.vector_load %arg4[%get3A_370, %get3A_371] {strides = array<i32>} : memref<144x256xf32, #tpu.memory_space<vmem>>, vector<16xf32>,
      %max3A_373 = arith.maximumf %max3A_368, %get3A_372 : vector<16xf32>
      %get3A_374 = arith.constant 76 : i32
      %get3A_375 = arith.index_cast %get3A_374 : i32 to index
      %get3A_376 = arith.index_cast %mul3A_37 : i32 to index
      %get3A_377 = tpu.vector_load %arg4[%get3A_375, %get3A_376] {strides = array<i32>} : memref<144x256xf32, #tpu.memory_space<vmem>>, vector<16xf32>,
      %max3A_378 = arith.maximumf %max3A_373, %get3A_377 : vector<16xf32>
      %get3A_379 = arith.constant 77 : i32
      %get3A_380 = arith.index_cast %get3A_379 : i32 to index
      %get3A_381 = arith.index_cast %mul3A_37 : i32 to index
      %get3A_382 = tpu.vector_load %arg4[%get3A_380, %get3A_381] {strides = array<i32>} : memref<144x256xf32, #tpu.memory_space<vmem>>, vector<16xf32>,
      %max3A_383 = arith.maximumf %max3A_378, %get3A_382 : vector<16xf32>
      %get3A_384 = arith.constant 78 : i32
      %get3A_385 = arith.index_cast %get3A_384 : i32 to index
      %get3A_386 = arith.index_cast %mul3A_37 : i32 to index
      %get3A_387 = tpu.vector_load %arg4[%get3A_385, %get3A_386] {strides = array<i32>} : memref<144x256xf32, #tpu.memory_space<vmem>>, vector<16xf32>,
      %max3A_388 = arith.maximumf %max3A_383, %get3A_387 : vector<16xf32>
      %get3A_389 = arith.constant 79 : i32
      %get3A_390 = arith.index_cast %get3A_389 : i32 to index
      %get3A_391 = arith.index_cast %mul3A_37 : i32 to index
      %get3A_392 = tpu.vector_load %arg4[%get3A_390, %get3A_391] {strides = array<i32>} : memref<144x256xf32, #tpu.memory_space<vmem>>, vector<16xf32>,
      %max3A_393 = arith.maximumf %max3A_388, %get3A_392 : vector<16xf32>
      %get3A_394 = arith.constant 7 : i32
      %get3A_395 = arith.index_cast %get3A_394 : i32 to index
      %get3A_396 = arith.index_cast %mul3A_37 : i32 to index
      %get3A_397 = tpu.vector_load %arg4[%get3A_395, %get3A_396] {strides = array<i32>} : memref<144x256xf32, #tpu.memory_space<vmem>>, vector<16xf32>,
      %sub3A_398 = arith.subf %get3A_397, %max3A_393 : vector<16xf32>
      %abs3A_399 = math.absf %sub3A_398 : vector<16xf32>
      %add3A_400 = arith.addf %add3A_354, %abs3A_399 : vector<16xf32>
      %get3A_401 = arith.constant 80 : i32
      %get3A_402 = arith.index_cast %get3A_401 : i32 to index
      %get3A_403 = arith.index_cast %mul3A_37 : i32 to index
      %get3A_404 = tpu.vector_load %arg4[%get3A_402, %get3A_403] {strides = array<i32>} : memref<144x256xf32, #tpu.memory_space<vmem>>, vector<16xf32>,
      %get3A_405 = arith.constant 81 : i32
      %get3A_406 = arith.index_cast %get3A_405 : i32 to index
      %get3A_407 = arith.index_cast %mul3A_37 : i32 to index
      %get3A_408 = tpu.vector_load %arg4[%get3A_406, %get3A_407] {strides = array<i32>} : memref<144x256xf32, #tpu.memory_space<vmem>>, vector<16xf32>,
      %max3A_409 = arith.maximumf %get3A_404, %get3A_408 : vector<16xf32>
      %get3A_410 = arith.constant 82 : i32
      %get3A_411 = arith.index_cast %get3A_410 : i32 to index
      %get3A_412 = arith.index_cast %mul3A_37 : i32 to index
      %get3A_413 = tpu.vector_load %arg4[%get3A_411, %get3A_412] {strides = array<i32>} : memref<144x256xf32, #tpu.memory_space<vmem>>, vector<16xf32>,
      %max3A_414 = arith.maximumf %max3A_409, %get3A_413 : vector<16xf32>
      %get3A_415 = arith.constant 83 : i32
      %get3A_416 = arith.index_cast %get3A_415 : i32 to index
      %get3A_417 = arith.index_cast %mul3A_37 : i32 to index
      %get3A_418 = tpu.vector_load %arg4[%get3A_416, %get3A_417] {strides = array<i32>} : memref<144x256xf32, #tpu.memory_space<vmem>>, vector<16xf32>,
      %max3A_419 = arith.maximumf %max3A_414, %get3A_418 : vector<16xf32>
      %get3A_420 = arith.constant 84 : i32
      %get3A_421 = arith.index_cast %get3A_420 : i32 to index
      %get3A_422 = arith.index_cast %mul3A_37 : i32 to index
      %get3A_423 = tpu.vector_load %arg4[%get3A_421, %get3A_422] {strides = array<i32>} : memref<144x256xf32, #tpu.memory_space<vmem>>, vector<16xf32>,
      %max3A_424 = arith.maximumf %max3A_419, %get3A_423 : vector<16xf32>
      %get3A_425 = arith.constant 85 : i32
      %get3A_426 = arith.index_cast %get3A_425 : i32 to index
      %get3A_427 = arith.index_cast %mul3A_37 : i32 to index
      %get3A_428 = tpu.vector_load %arg4[%get3A_426, %get3A_427] {strides = array<i32>} : memref<144x256xf32, #tpu.memory_space<vmem>>, vector<16xf32>,
      %max3A_429 = arith.maximumf %max3A_424, %get3A_428 : vector<16xf32>
      %get3A_430 = arith.constant 86 : i32
      %get3A_431 = arith.index_cast %get3A_430 : i32 to index
      %get3A_432 = arith.index_cast %mul3A_37 : i32 to index
      %get3A_433 = tpu.vector_load %arg4[%get3A_431, %get3A_432] {strides = array<i32>} : memref<144x256xf32, #tpu.memory_space<vmem>>, vector<16xf32>,
      %max3A_434 = arith.maximumf %max3A_429, %get3A_433 : vector<16xf32>
      %get3A_435 = arith.constant 87 : i32
      %get3A_436 = arith.index_cast %get3A_435 : i32 to index
      %get3A_437 = arith.index_cast %mul3A_37 : i32 to index
      %get3A_438 = tpu.vector_load %arg4[%get3A_436, %get3A_437] {strides = array<i32>} : memref<144x256xf32, #tpu.memory_space<vmem>>, vector<16xf32>,
      %max3A_439 = arith.maximumf %max3A_434, %get3A_438 : vector<16xf32>
      %get3A_440 = arith.constant 8 : i32
      %get3A_441 = arith.index_cast %get3A_440 : i32 to index
      %get3A_442 = arith.index_cast %mul3A_37 : i32 to index
      %get3A_443 = tpu.vector_load %arg4[%get3A_441, %get3A_442] {strides = array<i32>} : memref<144x256xf32, #tpu.memory_space<vmem>>, vector<16xf32>,
      %sub3A_444 = arith.subf %get3A_443, %max3A_439 : vector<16xf32>
      %abs3A_445 = math.absf %sub3A_444 : vector<16xf32>
      %add3A_446 = arith.addf %add3A_400, %abs3A_445 : vector<16xf32>
      %get3A_447 = arith.constant 88 : i32
      %get3A_448 = arith.index_cast %get3A_447 : i32 to index
      %get3A_449 = arith.index_cast %mul3A_37 : i32 to index
      %get3A_450 = tpu.vector_load %arg4[%get3A_448, %get3A_449] {strides = array<i32>} : memref<144x256xf32, #tpu.memory_space<vmem>>, vector<16xf32>,
      %get3A_451 = arith.constant 89 : i32
      %get3A_452 = arith.index_cast %get3A_451 : i32 to index
      %get3A_453 = arith.index_cast %mul3A_37 : i32 to index
      %get3A_454 = tpu.vector_load %arg4[%get3A_452, %get3A_453] {strides = array<i32>} : memref<144x256xf32, #tpu.memory_space<vmem>>, vector<16xf32>,
      %max3A_455 = arith.maximumf %get3A_450, %get3A_454 : vector<16xf32>
      %get3A_456 = arith.constant 90 : i32
      %get3A_457 = arith.index_cast %get3A_456 : i32 to index
      %get3A_458 = arith.index_cast %mul3A_37 : i32 to index
      %get3A_459 = tpu.vector_load %arg4[%get3A_457, %get3A_458] {strides = array<i32>} : memref<144x256xf32, #tpu.memory_space<vmem>>, vector<16xf32>,
      %max3A_460 = arith.maximumf %max3A_455, %get3A_459 : vector<16xf32>
      %get3A_461 = arith.constant 91 : i32
      %get3A_462 = arith.index_cast %get3A_461 : i32 to index
      %get3A_463 = arith.index_cast %mul3A_37 : i32 to index
      %get3A_464 = tpu.vector_load %arg4[%get3A_462, %get3A_463] {strides = array<i32>} : memref<144x256xf32, #tpu.memory_space<vmem>>, vector<16xf32>,
      %max3A_465 = arith.maximumf %max3A_460, %get3A_464 : vector<16xf32>
      %get3A_466 = arith.constant 92 : i32
      %get3A_467 = arith.index_cast %get3A_466 : i32 to index
      %get3A_468 = arith.index_cast %mul3A_37 : i32 to index
      %get3A_469 = tpu.vector_load %arg4[%get3A_467, %get3A_468] {strides = array<i32>} : memref<144x256xf32, #tpu.memory_space<vmem>>, vector<16xf32>,
      %max3A_470 = arith.maximumf %max3A_465, %get3A_469 : vector<16xf32>
      %get3A_471 = arith.constant 93 : i32
      %get3A_472 = arith.index_cast %get3A_471 : i32 to index
      %get3A_473 = arith.index_cast %mul3A_37 : i32 to index
      %get3A_474 = tpu.vector_load %arg4[%get3A_472, %get3A_473] {strides = array<i32>} : memref<144x256xf32, #tpu.memory_space<vmem>>, vector<16xf32>,
      %max3A_475 = arith.maximumf %max3A_470, %get3A_474 : vector<16xf32>
      %get3A_476 = arith.constant 94 : i32
      %get3A_477 = arith.index_cast %get3A_476 : i32 to index
      %get3A_478 = arith.index_cast %mul3A_37 : i32 to index
      %get3A_479 = tpu.vector_load %arg4[%get3A_477, %get3A_478] {strides = array<i32>} : memref<144x256xf32, #tpu.memory_space<vmem>>, vector<16xf32>,
      %max3A_480 = arith.maximumf %max3A_475, %get3A_479 : vector<16xf32>
      %get3A_481 = arith.constant 95 : i32
      %get3A_482 = arith.index_cast %get3A_481 : i32 to index
      %get3A_483 = arith.index_cast %mul3A_37 : i32 to index
      %get3A_484 = tpu.vector_load %arg4[%get3A_482, %get3A_483] {strides = array<i32>} : memref<144x256xf32, #tpu.memory_space<vmem>>, vector<16xf32>,
      %max3A_485 = arith.maximumf %max3A_480, %get3A_484 : vector<16xf32>
      %get3A_486 = arith.constant 9 : i32
      %get3A_487 = arith.index_cast %get3A_486 : i32 to index
      %get3A_488 = arith.index_cast %mul3A_37 : i32 to index
      %get3A_489 = tpu.vector_load %arg4[%get3A_487, %get3A_488] {strides = array<i32>} : memref<144x256xf32, #tpu.memory_space<vmem>>, vector<16xf32>,
      %sub3A_490 = arith.subf %get3A_489, %max3A_485 : vector<16xf32>
      %abs3A_491 = math.absf %sub3A_490 : vector<16xf32>
      %add3A_492 = arith.addf %add3A_446, %abs3A_491 : vector<16xf32>
      %get3A_493 = arith.constant 96 : i32
      %get3A_494 = arith.index_cast %get3A_493 : i32 to index
      %get3A_495 = arith.index_cast %mul3A_37 : i32 to index
      %get3A_496 = tpu.vector_load %arg4[%get3A_494, %get3A_495] {strides = array<i32>} : memref<144x256xf32, #tpu.memory_space<vmem>>, vector<16xf32>,
      %get3A_497 = arith.constant 97 : i32
      %get3A_498 = arith.index_cast %get3A_497 : i32 to index
      %get3A_499 = arith.index_cast %mul3A_37 : i32 to index
      %get3A_500 = tpu.vector_load %arg4[%get3A_498, %get3A_499] {strides = array<i32>} : memref<144x256xf32, #tpu.memory_space<vmem>>, vector<16xf32>,
      %max3A_501 = arith.maximumf %get3A_496, %get3A_500 : vector<16xf32>
      %get3A_502 = arith.constant 98 : i32
      %get3A_503 = arith.index_cast %get3A_502 : i32 to index
      %get3A_504 = arith.index_cast %mul3A_37 : i32 to index
      %get3A_505 = tpu.vector_load %arg4[%get3A_503, %get3A_504] {strides = array<i32>} : memref<144x256xf32, #tpu.memory_space<vmem>>, vector<16xf32>,
      %max3A_506 = arith.maximumf %max3A_501, %get3A_505 : vector<16xf32>
      %get3A_507 = arith.constant 99 : i32
      %get3A_508 = arith.index_cast %get3A_507 : i32 to index
      %get3A_509 = arith.index_cast %mul3A_37 : i32 to index
      %get3A_510 = tpu.vector_load %arg4[%get3A_508, %get3A_509] {strides = array<i32>} : memref<144x256xf32, #tpu.memory_space<vmem>>, vector<16xf32>,
      %max3A_511 = arith.maximumf %max3A_506, %get3A_510 : vector<16xf32>
      %get3A_512 = arith.constant 100 : i32
      %get3A_513 = arith.index_cast %get3A_512 : i32 to index
      %get3A_514 = arith.index_cast %mul3A_37 : i32 to index
      %get3A_515 = tpu.vector_load %arg4[%get3A_513, %get3A_514] {strides = array<i32>} : memref<144x256xf32, #tpu.memory_space<vmem>>, vector<16xf32>,
      %max3A_516 = arith.maximumf %max3A_511, %get3A_515 : vector<16xf32>
      %get3A_517 = arith.constant 101 : i32
      %get3A_518 = arith.index_cast %get3A_517 : i32 to index
      %get3A_519 = arith.index_cast %mul3A_37 : i32 to index
      %get3A_520 = tpu.vector_load %arg4[%get3A_518, %get3A_519] {strides = array<i32>} : memref<144x256xf32, #tpu.memory_space<vmem>>, vector<16xf32>,
      %max3A_521 = arith.maximumf %max3A_516, %get3A_520 : vector<16xf32>
      %get3A_522 = arith.constant 102 : i32
      %get3A_523 = arith.index_cast %get3A_522 : i32 to index
      %get3A_524 = arith.index_cast %mul3A_37 : i32 to index
      %get3A_525 = tpu.vector_load %arg4[%get3A_523, %get3A_524] {strides = array<i32>} : memref<144x256xf32, #tpu.memory_space<vmem>>, vector<16xf32>,
      %max3A_526 = arith.maximumf %max3A_521, %get3A_525 : vector<16xf32>
      %get3A_527 = arith.constant 103 : i32
      %get3A_528 = arith.index_cast %get3A_527 : i32 to index
      %get3A_529 = arith.index_cast %mul3A_37 : i32 to index
      %get3A_530 = tpu.vector_load %arg4[%get3A_528, %get3A_529] {strides = array<i32>} : memref<144x256xf32, #tpu.memory_space<vmem>>, vector<16xf32>,
      %max3A_531 = arith.maximumf %max3A_526, %get3A_530 : vector<16xf32>
      %get3A_532 = arith.constant 10 : i32
      %get3A_533 = arith.index_cast %get3A_532 : i32 to index
      %get3A_534 = arith.index_cast %mul3A_37 : i32 to index
      %get3A_535 = tpu.vector_load %arg4[%get3A_533, %get3A_534] {strides = array<i32>} : memref<144x256xf32, #tpu.memory_space<vmem>>, vector<16xf32>,
      %sub3A_536 = arith.subf %get3A_535, %max3A_531 : vector<16xf32>
      %abs3A_537 = math.absf %sub3A_536 : vector<16xf32>
      %add3A_538 = arith.addf %add3A_492, %abs3A_537 : vector<16xf32>
      %get3A_539 = arith.constant 104 : i32
      %get3A_540 = arith.index_cast %get3A_539 : i32 to index
      %get3A_541 = arith.index_cast %mul3A_37 : i32 to index
      %get3A_542 = tpu.vector_load %arg4[%get3A_540, %get3A_541] {strides = array<i32>} : memref<144x256xf32, #tpu.memory_space<vmem>>, vector<16xf32>,
      %get3A_543 = arith.constant 105 : i32
      %get3A_544 = arith.index_cast %get3A_543 : i32 to index
      %get3A_545 = arith.index_cast %mul3A_37 : i32 to index
      %get3A_546 = tpu.vector_load %arg4[%get3A_544, %get3A_545] {strides = array<i32>} : memref<144x256xf32, #tpu.memory_space<vmem>>, vector<16xf32>,
      %max3A_547 = arith.maximumf %get3A_542, %get3A_546 : vector<16xf32>
      %get3A_548 = arith.constant 106 : i32
      %get3A_549 = arith.index_cast %get3A_548 : i32 to index
      %get3A_550 = arith.index_cast %mul3A_37 : i32 to index
      %get3A_551 = tpu.vector_load %arg4[%get3A_549, %get3A_550] {strides = array<i32>} : memref<144x256xf32, #tpu.memory_space<vmem>>, vector<16xf32>,
      %max3A_552 = arith.maximumf %max3A_547, %get3A_551 : vector<16xf32>
      %get3A_553 = arith.constant 107 : i32
      %get3A_554 = arith.index_cast %get3A_553 : i32 to index
      %get3A_555 = arith.index_cast %mul3A_37 : i32 to index
      %get3A_556 = tpu.vector_load %arg4[%get3A_554, %get3A_555] {strides = array<i32>} : memref<144x256xf32, #tpu.memory_space<vmem>>, vector<16xf32>,
      %max3A_557 = arith.maximumf %max3A_552, %get3A_556 : vector<16xf32>
      %get3A_558 = arith.constant 108 : i32
      %get3A_559 = arith.index_cast %get3A_558 : i32 to index
      %get3A_560 = arith.index_cast %mul3A_37 : i32 to index
      %get3A_561 = tpu.vector_load %arg4[%get3A_559, %get3A_560] {strides = array<i32>} : memref<144x256xf32, #tpu.memory_space<vmem>>, vector<16xf32>,
      %max3A_562 = arith.maximumf %max3A_557, %get3A_561 : vector<16xf32>
      %get3A_563 = arith.constant 109 : i32
      %get3A_564 = arith.index_cast %get3A_563 : i32 to index
      %get3A_565 = arith.index_cast %mul3A_37 : i32 to index
      %get3A_566 = tpu.vector_load %arg4[%get3A_564, %get3A_565] {strides = array<i32>} : memref<144x256xf32, #tpu.memory_space<vmem>>, vector<16xf32>,
      %max3A_567 = arith.maximumf %max3A_562, %get3A_566 : vector<16xf32>
      %get3A_568 = arith.constant 110 : i32
      %get3A_569 = arith.index_cast %get3A_568 : i32 to index
      %get3A_570 = arith.index_cast %mul3A_37 : i32 to index
      %get3A_571 = tpu.vector_load %arg4[%get3A_569, %get3A_570] {strides = array<i32>} : memref<144x256xf32, #tpu.memory_space<vmem>>, vector<16xf32>,
      %max3A_572 = arith.maximumf %max3A_567, %get3A_571 : vector<16xf32>
      %get3A_573 = arith.constant 111 : i32
      %get3A_574 = arith.index_cast %get3A_573 : i32 to index
      %get3A_575 = arith.index_cast %mul3A_37 : i32 to index
      %get3A_576 = tpu.vector_load %arg4[%get3A_574, %get3A_575] {strides = array<i32>} : memref<144x256xf32, #tpu.memory_space<vmem>>, vector<16xf32>,
      %max3A_577 = arith.maximumf %max3A_572, %get3A_576 : vector<16xf32>
      %get3A_578 = arith.constant 11 : i32
      %get3A_579 = arith.index_cast %get3A_578 : i32 to index
      %get3A_580 = arith.index_cast %mul3A_37 : i32 to index
      %get3A_581 = tpu.vector_load %arg4[%get3A_579, %get3A_580] {strides = array<i32>} : memref<144x256xf32, #tpu.memory_space<vmem>>, vector<16xf32>,
      %sub3A_582 = arith.subf %get3A_581, %max3A_577 : vector<16xf32>
      %abs3A_583 = math.absf %sub3A_582 : vector<16xf32>
      %add3A_584 = arith.addf %add3A_538, %abs3A_583 : vector<16xf32>
      %get3A_585 = arith.constant 112 : i32
      %get3A_586 = arith.index_cast %get3A_585 : i32 to index
      %get3A_587 = arith.index_cast %mul3A_37 : i32 to index
      %get3A_588 = tpu.vector_load %arg4[%get3A_586, %get3A_587] {strides = array<i32>} : memref<144x256xf32, #tpu.memory_space<vmem>>, vector<16xf32>,
      %get3A_589 = arith.constant 113 : i32
      %get3A_590 = arith.index_cast %get3A_589 : i32 to index
      %get3A_591 = arith.index_cast %mul3A_37 : i32 to index
      %get3A_592 = tpu.vector_load %arg4[%get3A_590, %get3A_591] {strides = array<i32>} : memref<144x256xf32, #tpu.memory_space<vmem>>, vector<16xf32>,
      %max3A_593 = arith.maximumf %get3A_588, %get3A_592 : vector<16xf32>
      %get3A_594 = arith.constant 114 : i32
      %get3A_595 = arith.index_cast %get3A_594 : i32 to index
      %get3A_596 = arith.index_cast %mul3A_37 : i32 to index
      %get3A_597 = tpu.vector_load %arg4[%get3A_595, %get3A_596] {strides = array<i32>} : memref<144x256xf32, #tpu.memory_space<vmem>>, vector<16xf32>,
      %max3A_598 = arith.maximumf %max3A_593, %get3A_597 : vector<16xf32>
      %get3A_599 = arith.constant 115 : i32
      %get3A_600 = arith.index_cast %get3A_599 : i32 to index
      %get3A_601 = arith.index_cast %mul3A_37 : i32 to index
      %get3A_602 = tpu.vector_load %arg4[%get3A_600, %get3A_601] {strides = array<i32>} : memref<144x256xf32, #tpu.memory_space<vmem>>, vector<16xf32>,
      %max3A_603 = arith.maximumf %max3A_598, %get3A_602 : vector<16xf32>
      %get3A_604 = arith.constant 116 : i32
      %get3A_605 = arith.index_cast %get3A_604 : i32 to index
      %get3A_606 = arith.index_cast %mul3A_37 : i32 to index
      %get3A_607 = tpu.vector_load %arg4[%get3A_605, %get3A_606] {strides = array<i32>} : memref<144x256xf32, #tpu.memory_space<vmem>>, vector<16xf32>,
      %max3A_608 = arith.maximumf %max3A_603, %get3A_607 : vector<16xf32>
      %get3A_609 = arith.constant 117 : i32
      %get3A_610 = arith.index_cast %get3A_609 : i32 to index
      %get3A_611 = arith.index_cast %mul3A_37 : i32 to index
      %get3A_612 = tpu.vector_load %arg4[%get3A_610, %get3A_611] {strides = array<i32>} : memref<144x256xf32, #tpu.memory_space<vmem>>, vector<16xf32>,
      %max3A_613 = arith.maximumf %max3A_608, %get3A_612 : vector<16xf32>
      %get3A_614 = arith.constant 118 : i32
      %get3A_615 = arith.index_cast %get3A_614 : i32 to index
      %get3A_616 = arith.index_cast %mul3A_37 : i32 to index
      %get3A_617 = tpu.vector_load %arg4[%get3A_615, %get3A_616] {strides = array<i32>} : memref<144x256xf32, #tpu.memory_space<vmem>>, vector<16xf32>,
      %max3A_618 = arith.maximumf %max3A_613, %get3A_617 : vector<16xf32>
      %get3A_619 = arith.constant 119 : i32
      %get3A_620 = arith.index_cast %get3A_619 : i32 to index
      %get3A_621 = arith.index_cast %mul3A_37 : i32 to index
      %get3A_622 = tpu.vector_load %arg4[%get3A_620, %get3A_621] {strides = array<i32>} : memref<144x256xf32, #tpu.memory_space<vmem>>, vector<16xf32>,
      %max3A_623 = arith.maximumf %max3A_618, %get3A_622 : vector<16xf32>
      %get3A_624 = arith.constant 12 : i32
      %get3A_625 = arith.index_cast %get3A_624 : i32 to index
      %get3A_626 = arith.index_cast %mul3A_37 : i32 to index
      %get3A_627 = tpu.vector_load %arg4[%get3A_625, %get3A_626] {strides = array<i32>} : memref<144x256xf32, #tpu.memory_space<vmem>>, vector<16xf32>,
      %sub3A_628 = arith.subf %get3A_627, %max3A_623 : vector<16xf32>
      %abs3A_629 = math.absf %sub3A_628 : vector<16xf32>
      %add3A_630 = arith.addf %add3A_584, %abs3A_629 : vector<16xf32>
      %get3A_631 = arith.constant 120 : i32
      %get3A_632 = arith.index_cast %get3A_631 : i32 to index
      %get3A_633 = arith.index_cast %mul3A_37 : i32 to index
      %get3A_634 = tpu.vector_load %arg4[%get3A_632, %get3A_633] {strides = array<i32>} : memref<144x256xf32, #tpu.memory_space<vmem>>, vector<16xf32>,
      %get3A_635 = arith.constant 121 : i32
      %get3A_636 = arith.index_cast %get3A_635 : i32 to index
      %get3A_637 = arith.index_cast %mul3A_37 : i32 to index
      %get3A_638 = tpu.vector_load %arg4[%get3A_636, %get3A_637] {strides = array<i32>} : memref<144x256xf32, #tpu.memory_space<vmem>>, vector<16xf32>,
      %max3A_639 = arith.maximumf %get3A_634, %get3A_638 : vector<16xf32>
      %get3A_640 = arith.constant 122 : i32
      %get3A_641 = arith.index_cast %get3A_640 : i32 to index
      %get3A_642 = arith.index_cast %mul3A_37 : i32 to index
      %get3A_643 = tpu.vector_load %arg4[%get3A_641, %get3A_642] {strides = array<i32>} : memref<144x256xf32, #tpu.memory_space<vmem>>, vector<16xf32>,
      %max3A_644 = arith.maximumf %max3A_639, %get3A_643 : vector<16xf32>
      %get3A_645 = arith.constant 123 : i32
      %get3A_646 = arith.index_cast %get3A_645 : i32 to index
      %get3A_647 = arith.index_cast %mul3A_37 : i32 to index
      %get3A_648 = tpu.vector_load %arg4[%get3A_646, %get3A_647] {strides = array<i32>} : memref<144x256xf32, #tpu.memory_space<vmem>>, vector<16xf32>,
      %max3A_649 = arith.maximumf %max3A_644, %get3A_648 : vector<16xf32>
      %get3A_650 = arith.constant 124 : i32
      %get3A_651 = arith.index_cast %get3A_650 : i32 to index
      %get3A_652 = arith.index_cast %mul3A_37 : i32 to index
      %get3A_653 = tpu.vector_load %arg4[%get3A_651, %get3A_652] {strides = array<i32>} : memref<144x256xf32, #tpu.memory_space<vmem>>, vector<16xf32>,
      %max3A_654 = arith.maximumf %max3A_649, %get3A_653 : vector<16xf32>
      %get3A_655 = arith.constant 125 : i32
      %get3A_656 = arith.index_cast %get3A_655 : i32 to index
      %get3A_657 = arith.index_cast %mul3A_37 : i32 to index
      %get3A_658 = tpu.vector_load %arg4[%get3A_656, %get3A_657] {strides = array<i32>} : memref<144x256xf32, #tpu.memory_space<vmem>>, vector<16xf32>,
      %max3A_659 = arith.maximumf %max3A_654, %get3A_658 : vector<16xf32>
      %get3A_660 = arith.constant 126 : i32
      %get3A_661 = arith.index_cast %get3A_660 : i32 to index
      %get3A_662 = arith.index_cast %mul3A_37 : i32 to index
      %get3A_663 = tpu.vector_load %arg4[%get3A_661, %get3A_662] {strides = array<i32>} : memref<144x256xf32, #tpu.memory_space<vmem>>, vector<16xf32>,
      %max3A_664 = arith.maximumf %max3A_659, %get3A_663 : vector<16xf32>
      %get3A_665 = arith.constant 127 : i32
      %get3A_666 = arith.index_cast %get3A_665 : i32 to index
      %get3A_667 = arith.index_cast %mul3A_37 : i32 to index
      %get3A_668 = tpu.vector_load %arg4[%get3A_666, %get3A_667] {strides = array<i32>} : memref<144x256xf32, #tpu.memory_space<vmem>>, vector<16xf32>,
      %max3A_669 = arith.maximumf %max3A_664, %get3A_668 : vector<16xf32>
      %get3A_670 = arith.constant 13 : i32
      %get3A_671 = arith.index_cast %get3A_670 : i32 to index
      %get3A_672 = arith.index_cast %mul3A_37 : i32 to index
      %get3A_673 = tpu.vector_load %arg4[%get3A_671, %get3A_672] {strides = array<i32>} : memref<144x256xf32, #tpu.memory_space<vmem>>, vector<16xf32>,
      %sub3A_674 = arith.subf %get3A_673, %max3A_669 : vector<16xf32>
      %abs3A_675 = math.absf %sub3A_674 : vector<16xf32>
      %add3A_676 = arith.addf %add3A_630, %abs3A_675 : vector<16xf32>
      %get3A_677 = arith.constant 128 : i32
      %get3A_678 = arith.index_cast %get3A_677 : i32 to index
      %get3A_679 = arith.index_cast %mul3A_37 : i32 to index
      %get3A_680 = tpu.vector_load %arg4[%get3A_678, %get3A_679] {strides = array<i32>} : memref<144x256xf32, #tpu.memory_space<vmem>>, vector<16xf32>,
      %get3A_681 = arith.constant 129 : i32
      %get3A_682 = arith.index_cast %get3A_681 : i32 to index
      %get3A_683 = arith.index_cast %mul3A_37 : i32 to index
      %get3A_684 = tpu.vector_load %arg4[%get3A_682, %get3A_683] {strides = array<i32>} : memref<144x256xf32, #tpu.memory_space<vmem>>, vector<16xf32>,
      %max3A_685 = arith.maximumf %get3A_680, %get3A_684 : vector<16xf32>
      %get3A_686 = arith.constant 130 : i32
      %get3A_687 = arith.index_cast %get3A_686 : i32 to index
      %get3A_688 = arith.index_cast %mul3A_37 : i32 to index
      %get3A_689 = tpu.vector_load %arg4[%get3A_687, %get3A_688] {strides = array<i32>} : memref<144x256xf32, #tpu.memory_space<vmem>>, vector<16xf32>,
      %max3A_690 = arith.maximumf %max3A_685, %get3A_689 : vector<16xf32>
      %get3A_691 = arith.constant 131 : i32
      %get3A_692 = arith.index_cast %get3A_691 : i32 to index
      %get3A_693 = arith.index_cast %mul3A_37 : i32 to index
      %get3A_694 = tpu.vector_load %arg4[%get3A_692, %get3A_693] {strides = array<i32>} : memref<144x256xf32, #tpu.memory_space<vmem>>, vector<16xf32>,
      %max3A_695 = arith.maximumf %max3A_690, %get3A_694 : vector<16xf32>
      %get3A_696 = arith.constant 132 : i32
      %get3A_697 = arith.index_cast %get3A_696 : i32 to index
      %get3A_698 = arith.index_cast %mul3A_37 : i32 to index
      %get3A_699 = tpu.vector_load %arg4[%get3A_697, %get3A_698] {strides = array<i32>} : memref<144x256xf32, #tpu.memory_space<vmem>>, vector<16xf32>,
      %max3A_700 = arith.maximumf %max3A_695, %get3A_699 : vector<16xf32>
      %get3A_701 = arith.constant 133 : i32
      %get3A_702 = arith.index_cast %get3A_701 : i32 to index
      %get3A_703 = arith.index_cast %mul3A_37 : i32 to index
      %get3A_704 = tpu.vector_load %arg4[%get3A_702, %get3A_703] {strides = array<i32>} : memref<144x256xf32, #tpu.memory_space<vmem>>, vector<16xf32>,
      %max3A_705 = arith.maximumf %max3A_700, %get3A_704 : vector<16xf32>
      %get3A_706 = arith.constant 134 : i32
      %get3A_707 = arith.index_cast %get3A_706 : i32 to index
      %get3A_708 = arith.index_cast %mul3A_37 : i32 to index
      %get3A_709 = tpu.vector_load %arg4[%get3A_707, %get3A_708] {strides = array<i32>} : memref<144x256xf32, #tpu.memory_space<vmem>>, vector<16xf32>,
      %max3A_710 = arith.maximumf %max3A_705, %get3A_709 : vector<16xf32>
      %get3A_711 = arith.constant 135 : i32
      %get3A_712 = arith.index_cast %get3A_711 : i32 to index
      %get3A_713 = arith.index_cast %mul3A_37 : i32 to index
      %get3A_714 = tpu.vector_load %arg4[%get3A_712, %get3A_713] {strides = array<i32>} : memref<144x256xf32, #tpu.memory_space<vmem>>, vector<16xf32>,
      %max3A_715 = arith.maximumf %max3A_710, %get3A_714 : vector<16xf32>
      %get3A_716 = arith.constant 14 : i32
      %get3A_717 = arith.index_cast %get3A_716 : i32 to index
      %get3A_718 = arith.index_cast %mul3A_37 : i32 to index
      %get3A_719 = tpu.vector_load %arg4[%get3A_717, %get3A_718] {strides = array<i32>} : memref<144x256xf32, #tpu.memory_space<vmem>>, vector<16xf32>,
      %sub3A_720 = arith.subf %get3A_719, %max3A_715 : vector<16xf32>
      %abs3A_721 = math.absf %sub3A_720 : vector<16xf32>
      %add3A_722 = arith.addf %add3A_676, %abs3A_721 : vector<16xf32>
      %get3A_723 = arith.constant 136 : i32
      %get3A_724 = arith.index_cast %get3A_723 : i32 to index
      %get3A_725 = arith.index_cast %mul3A_37 : i32 to index
      %get3A_726 = tpu.vector_load %arg4[%get3A_724, %get3A_725] {strides = array<i32>} : memref<144x256xf32, #tpu.memory_space<vmem>>, vector<16xf32>,
      %get3A_727 = arith.constant 137 : i32
      %get3A_728 = arith.index_cast %get3A_727 : i32 to index
      %get3A_729 = arith.index_cast %mul3A_37 : i32 to index
      %get3A_730 = tpu.vector_load %arg4[%get3A_728, %get3A_729] {strides = array<i32>} : memref<144x256xf32, #tpu.memory_space<vmem>>, vector<16xf32>,
      %max3A_731 = arith.maximumf %get3A_726, %get3A_730 : vector<16xf32>
      %get3A_732 = arith.constant 138 : i32
      %get3A_733 = arith.index_cast %get3A_732 : i32 to index
      %get3A_734 = arith.index_cast %mul3A_37 : i32 to index
      %get3A_735 = tpu.vector_load %arg4[%get3A_733, %get3A_734] {strides = array<i32>} : memref<144x256xf32, #tpu.memory_space<vmem>>, vector<16xf32>,
      %max3A_736 = arith.maximumf %max3A_731, %get3A_735 : vector<16xf32>
      %get3A_737 = arith.constant 139 : i32
      %get3A_738 = arith.index_cast %get3A_737 : i32 to index
      %get3A_739 = arith.index_cast %mul3A_37 : i32 to index
      %get3A_740 = tpu.vector_load %arg4[%get3A_738, %get3A_739] {strides = array<i32>} : memref<144x256xf32, #tpu.memory_space<vmem>>, vector<16xf32>,
      %max3A_741 = arith.maximumf %max3A_736, %get3A_740 : vector<16xf32>
      %get3A_742 = arith.constant 140 : i32
      %get3A_743 = arith.index_cast %get3A_742 : i32 to index
      %get3A_744 = arith.index_cast %mul3A_37 : i32 to index
      %get3A_745 = tpu.vector_load %arg4[%get3A_743, %get3A_744] {strides = array<i32>} : memref<144x256xf32, #tpu.memory_space<vmem>>, vector<16xf32>,
      %max3A_746 = arith.maximumf %max3A_741, %get3A_745 : vector<16xf32>
      %get3A_747 = arith.constant 141 : i32
      %get3A_748 = arith.index_cast %get3A_747 : i32 to index
      %get3A_749 = arith.index_cast %mul3A_37 : i32 to index
      %get3A_750 = tpu.vector_load %arg4[%get3A_748, %get3A_749] {strides = array<i32>} : memref<144x256xf32, #tpu.memory_space<vmem>>, vector<16xf32>,
      %max3A_751 = arith.maximumf %max3A_746, %get3A_750 : vector<16xf32>
      %get3A_752 = arith.constant 142 : i32
      %get3A_753 = arith.index_cast %get3A_752 : i32 to index
      %get3A_754 = arith.index_cast %mul3A_37 : i32 to index
      %get3A_755 = tpu.vector_load %arg4[%get3A_753, %get3A_754] {strides = array<i32>} : memref<144x256xf32, #tpu.memory_space<vmem>>, vector<16xf32>,
      %max3A_756 = arith.maximumf %max3A_751, %get3A_755 : vector<16xf32>
      %get3A_757 = arith.constant 143 : i32
      %get3A_758 = arith.index_cast %get3A_757 : i32 to index
      %get3A_759 = arith.index_cast %mul3A_37 : i32 to index
      %get3A_760 = tpu.vector_load %arg4[%get3A_758, %get3A_759] {strides = array<i32>} : memref<144x256xf32, #tpu.memory_space<vmem>>, vector<16xf32>,
      %max3A_761 = arith.maximumf %max3A_756, %get3A_760 : vector<16xf32>
      %get3A_762 = arith.constant 15 : i32
      %get3A_763 = arith.index_cast %get3A_762 : i32 to index
      %get3A_764 = arith.index_cast %mul3A_37 : i32 to index
      %get3A_765 = tpu.vector_load %arg4[%get3A_763, %get3A_764] {strides = array<i32>} : memref<144x256xf32, #tpu.memory_space<vmem>>, vector<16xf32>,
      %sub3A_766 = arith.subf %get3A_765, %max3A_761 : vector<16xf32>
      %abs3A_767 = math.absf %sub3A_766 : vector<16xf32>
      %add3A_768 = arith.addf %add3A_722, %abs3A_767 : vector<16xf32>
      %add3A_769 = arith.addf %scan3A_35, %add3A_768 : vector<16xf32>
      scf.yield %add3A_769 : vector<16xf32>
    }
    %scan3A_22 = arith.constant 16 : i32
    %dma_wait3A_23 = arith.constant 0 : i32
    %dma_wait3A_24 = tpu.memref_slice %arg2[%dma_wait3A_23, %add3A_10] : memref<1000x16384xf32, #tpu.memory_space<hbm>> -> memref<144x256xf32, #tpu.memory_space<hbm>>
    %dma_wait3A_25 = arith.constant 0 : i32
    %dma_wait3A_26 = tpu.memref_slice %arg2[%dma_wait3A_25, %add3A_10] : memref<1000x16384xf32, #tpu.memory_space<hbm>> -> memref<144x256xf32, #tpu.memory_space<hbm>>
    tpu.wait_dma2 semaphore(%arg8 : memref<!tpu.dma_semaphore, #tpu.memory_space<semaphore_mem>>) src(%dma_wait3A_26 : memref<144x256xf32, #tpu.memory_space<hbm>>) dst(%arg5 : memref<144x256xf32, #tpu.memory_space<vmem>>)
    %scan3A_27 = arith.constant 0 : i32
    %scan3A_28 = arith.constant 16 : i32
    %scan3A_29 = arith.addi %scan3A_27, %scan3A_28 : i32
    %scan3A_30 = arith.constant 1 : i32
    %scan3A_31 = scf.for %scan3A_34 = %scan3A_27 to %scan3A_29 step %scan3A_30 iter_args(%scan3A_35 = %scan3A_21) -> (vector<16xf32>)  : i32 {
      %mul3A_36 = arith.constant 16 : i32
      %mul3A_37 = arith.muli %scan3A_34, %mul3A_36 : i32
      %get3A = arith.constant 16 : i32
      %get3A_38 = arith.index_cast %get3A : i32 to index
      %get3A_39 = arith.index_cast %mul3A_37 : i32 to index
      %get3A_40 = tpu.vector_load %arg5[%get3A_38, %get3A_39] {strides = array<i32>} : memref<144x256xf32, #tpu.memory_space<vmem>>, vector<16xf32>,
      %get3A_41 = arith.constant 17 : i32
      %get3A_42 = arith.index_cast %get3A_41 : i32 to index
      %get3A_43 = arith.index_cast %mul3A_37 : i32 to index
      %get3A_44 = tpu.vector_load %arg5[%get3A_42, %get3A_43] {strides = array<i32>} : memref<144x256xf32, #tpu.memory_space<vmem>>, vector<16xf32>,
      %max3A = arith.maximumf %get3A_40, %get3A_44 : vector<16xf32>
      %get3A_45 = arith.constant 18 : i32
      %get3A_46 = arith.index_cast %get3A_45 : i32 to index
      %get3A_47 = arith.index_cast %mul3A_37 : i32 to index
      %get3A_48 = tpu.vector_load %arg5[%get3A_46, %get3A_47] {strides = array<i32>} : memref<144x256xf32, #tpu.memory_space<vmem>>, vector<16xf32>,
      %max3A_49 = arith.maximumf %max3A, %get3A_48 : vector<16xf32>
      %get3A_50 = arith.constant 19 : i32
      %get3A_51 = arith.index_cast %get3A_50 : i32 to index
      %get3A_52 = arith.index_cast %mul3A_37 : i32 to index
      %get3A_53 = tpu.vector_load %arg5[%get3A_51, %get3A_52] {strides = array<i32>} : memref<144x256xf32, #tpu.memory_space<vmem>>, vector<16xf32>,
      %max3A_54 = arith.maximumf %max3A_49, %get3A_53 : vector<16xf32>
      %get3A_55 = arith.constant 20 : i32
      %get3A_56 = arith.index_cast %get3A_55 : i32 to index
      %get3A_57 = arith.index_cast %mul3A_37 : i32 to index
      %get3A_58 = tpu.vector_load %arg5[%get3A_56, %get3A_57] {strides = array<i32>} : memref<144x256xf32, #tpu.memory_space<vmem>>, vector<16xf32>,
      %max3A_59 = arith.maximumf %max3A_54, %get3A_58 : vector<16xf32>
      %get3A_60 = arith.constant 21 : i32
      %get3A_61 = arith.index_cast %get3A_60 : i32 to index
      %get3A_62 = arith.index_cast %mul3A_37 : i32 to index
      %get3A_63 = tpu.vector_load %arg5[%get3A_61, %get3A_62] {strides = array<i32>} : memref<144x256xf32, #tpu.memory_space<vmem>>, vector<16xf32>,
      %max3A_64 = arith.maximumf %max3A_59, %get3A_63 : vector<16xf32>
      %get3A_65 = arith.constant 22 : i32
      %get3A_66 = arith.index_cast %get3A_65 : i32 to index
      %get3A_67 = arith.index_cast %mul3A_37 : i32 to index
      %get3A_68 = tpu.vector_load %arg5[%get3A_66, %get3A_67] {strides = array<i32>} : memref<144x256xf32, #tpu.memory_space<vmem>>, vector<16xf32>,
      %max3A_69 = arith.maximumf %max3A_64, %get3A_68 : vector<16xf32>
      %get3A_70 = arith.constant 23 : i32
      %get3A_71 = arith.index_cast %get3A_70 : i32 to index
      %get3A_72 = arith.index_cast %mul3A_37 : i32 to index
      %get3A_73 = tpu.vector_load %arg5[%get3A_71, %get3A_72] {strides = array<i32>} : memref<144x256xf32, #tpu.memory_space<vmem>>, vector<16xf32>,
      %max3A_74 = arith.maximumf %max3A_69, %get3A_73 : vector<16xf32>
      %get3A_75 = arith.constant 0 : i32
      %get3A_76 = arith.index_cast %get3A_75 : i32 to index
      %get3A_77 = arith.index_cast %mul3A_37 : i32 to index
      %get3A_78 = tpu.vector_load %arg5[%get3A_76, %get3A_77] {strides = array<i32>} : memref<144x256xf32, #tpu.memory_space<vmem>>, vector<16xf32>,
      %sub3A = arith.subf %get3A_78, %max3A_74 : vector<16xf32>
      %abs3A = math.absf %sub3A : vector<16xf32>
      %get3A_79 = arith.constant 24 : i32
      %get3A_80 = arith.index_cast %get3A_79 : i32 to index
      %get3A_81 = arith.index_cast %mul3A_37 : i32 to index
      %get3A_82 = tpu.vector_load %arg5[%get3A_80, %get3A_81] {strides = array<i32>} : memref<144x256xf32, #tpu.memory_space<vmem>>, vector<16xf32>,
      %get3A_83 = arith.constant 25 : i32
      %get3A_84 = arith.index_cast %get3A_83 : i32 to index
      %get3A_85 = arith.index_cast %mul3A_37 : i32 to index
      %get3A_86 = tpu.vector_load %arg5[%get3A_84, %get3A_85] {strides = array<i32>} : memref<144x256xf32, #tpu.memory_space<vmem>>, vector<16xf32>,
      %max3A_87 = arith.maximumf %get3A_82, %get3A_86 : vector<16xf32>
      %get3A_88 = arith.constant 26 : i32
      %get3A_89 = arith.index_cast %get3A_88 : i32 to index
      %get3A_90 = arith.index_cast %mul3A_37 : i32 to index
      %get3A_91 = tpu.vector_load %arg5[%get3A_89, %get3A_90] {strides = array<i32>} : memref<144x256xf32, #tpu.memory_space<vmem>>, vector<16xf32>,
      %max3A_92 = arith.maximumf %max3A_87, %get3A_91 : vector<16xf32>
      %get3A_93 = arith.constant 27 : i32
      %get3A_94 = arith.index_cast %get3A_93 : i32 to index
      %get3A_95 = arith.index_cast %mul3A_37 : i32 to index
      %get3A_96 = tpu.vector_load %arg5[%get3A_94, %get3A_95] {strides = array<i32>} : memref<144x256xf32, #tpu.memory_space<vmem>>, vector<16xf32>,
      %max3A_97 = arith.maximumf %max3A_92, %get3A_96 : vector<16xf32>
      %get3A_98 = arith.constant 28 : i32
      %get3A_99 = arith.index_cast %get3A_98 : i32 to index
      %get3A_100 = arith.index_cast %mul3A_37 : i32 to index
      %get3A_101 = tpu.vector_load %arg5[%get3A_99, %get3A_100] {strides = array<i32>} : memref<144x256xf32, #tpu.memory_space<vmem>>, vector<16xf32>,
      %max3A_102 = arith.maximumf %max3A_97, %get3A_101 : vector<16xf32>
      %get3A_103 = arith.constant 29 : i32
      %get3A_104 = arith.index_cast %get3A_103 : i32 to index
      %get3A_105 = arith.index_cast %mul3A_37 : i32 to index
      %get3A_106 = tpu.vector_load %arg5[%get3A_104, %get3A_105] {strides = array<i32>} : memref<144x256xf32, #tpu.memory_space<vmem>>, vector<16xf32>,
      %max3A_107 = arith.maximumf %max3A_102, %get3A_106 : vector<16xf32>
      %get3A_108 = arith.constant 30 : i32
      %get3A_109 = arith.index_cast %get3A_108 : i32 to index
      %get3A_110 = arith.index_cast %mul3A_37 : i32 to index
      %get3A_111 = tpu.vector_load %arg5[%get3A_109, %get3A_110] {strides = array<i32>} : memref<144x256xf32, #tpu.memory_space<vmem>>, vector<16xf32>,
      %max3A_112 = arith.maximumf %max3A_107, %get3A_111 : vector<16xf32>
      %get3A_113 = arith.constant 31 : i32
      %get3A_114 = arith.index_cast %get3A_113 : i32 to index
      %get3A_115 = arith.index_cast %mul3A_37 : i32 to index
      %get3A_116 = tpu.vector_load %arg5[%get3A_114, %get3A_115] {strides = array<i32>} : memref<144x256xf32, #tpu.memory_space<vmem>>, vector<16xf32>,
      %max3A_117 = arith.maximumf %max3A_112, %get3A_116 : vector<16xf32>
      %get3A_118 = arith.constant 1 : i32
      %get3A_119 = arith.index_cast %get3A_118 : i32 to index
      %get3A_120 = arith.index_cast %mul3A_37 : i32 to index
      %get3A_121 = tpu.vector_load %arg5[%get3A_119, %get3A_120] {strides = array<i32>} : memref<144x256xf32, #tpu.memory_space<vmem>>, vector<16xf32>,
      %sub3A_122 = arith.subf %get3A_121, %max3A_117 : vector<16xf32>
      %abs3A_123 = math.absf %sub3A_122 : vector<16xf32>
      %add3A_124 = arith.addf %abs3A, %abs3A_123 : vector<16xf32>
      %get3A_125 = arith.constant 32 : i32
      %get3A_126 = arith.index_cast %get3A_125 : i32 to index
      %get3A_127 = arith.index_cast %mul3A_37 : i32 to index
      %get3A_128 = tpu.vector_load %arg5[%get3A_126, %get3A_127] {strides = array<i32>} : memref<144x256xf32, #tpu.memory_space<vmem>>, vector<16xf32>,
      %get3A_129 = arith.constant 33 : i32
      %get3A_130 = arith.index_cast %get3A_129 : i32 to index
      %get3A_131 = arith.index_cast %mul3A_37 : i32 to index
      %get3A_132 = tpu.vector_load %arg5[%get3A_130, %get3A_131] {strides = array<i32>} : memref<144x256xf32, #tpu.memory_space<vmem>>, vector<16xf32>,
      %max3A_133 = arith.maximumf %get3A_128, %get3A_132 : vector<16xf32>
      %get3A_134 = arith.constant 34 : i32
      %get3A_135 = arith.index_cast %get3A_134 : i32 to index
      %get3A_136 = arith.index_cast %mul3A_37 : i32 to index
      %get3A_137 = tpu.vector_load %arg5[%get3A_135, %get3A_136] {strides = array<i32>} : memref<144x256xf32, #tpu.memory_space<vmem>>, vector<16xf32>,
      %max3A_138 = arith.maximumf %max3A_133, %get3A_137 : vector<16xf32>
      %get3A_139 = arith.constant 35 : i32
      %get3A_140 = arith.index_cast %get3A_139 : i32 to index
      %get3A_141 = arith.index_cast %mul3A_37 : i32 to index
      %get3A_142 = tpu.vector_load %arg5[%get3A_140, %get3A_141] {strides = array<i32>} : memref<144x256xf32, #tpu.memory_space<vmem>>, vector<16xf32>,
      %max3A_143 = arith.maximumf %max3A_138, %get3A_142 : vector<16xf32>
      %get3A_144 = arith.constant 36 : i32
      %get3A_145 = arith.index_cast %get3A_144 : i32 to index
      %get3A_146 = arith.index_cast %mul3A_37 : i32 to index
      %get3A_147 = tpu.vector_load %arg5[%get3A_145, %get3A_146] {strides = array<i32>} : memref<144x256xf32, #tpu.memory_space<vmem>>, vector<16xf32>,
      %max3A_148 = arith.maximumf %max3A_143, %get3A_147 : vector<16xf32>
      %get3A_149 = arith.constant 37 : i32
      %get3A_150 = arith.index_cast %get3A_149 : i32 to index
      %get3A_151 = arith.index_cast %mul3A_37 : i32 to index
      %get3A_152 = tpu.vector_load %arg5[%get3A_150, %get3A_151] {strides = array<i32>} : memref<144x256xf32, #tpu.memory_space<vmem>>, vector<16xf32>,
      %max3A_153 = arith.maximumf %max3A_148, %get3A_152 : vector<16xf32>
      %get3A_154 = arith.constant 38 : i32
      %get3A_155 = arith.index_cast %get3A_154 : i32 to index
      %get3A_156 = arith.index_cast %mul3A_37 : i32 to index
      %get3A_157 = tpu.vector_load %arg5[%get3A_155, %get3A_156] {strides = array<i32>} : memref<144x256xf32, #tpu.memory_space<vmem>>, vector<16xf32>,
      %max3A_158 = arith.maximumf %max3A_153, %get3A_157 : vector<16xf32>
      %get3A_159 = arith.constant 39 : i32
      %get3A_160 = arith.index_cast %get3A_159 : i32 to index
      %get3A_161 = arith.index_cast %mul3A_37 : i32 to index
      %get3A_162 = tpu.vector_load %arg5[%get3A_160, %get3A_161] {strides = array<i32>} : memref<144x256xf32, #tpu.memory_space<vmem>>, vector<16xf32>,
      %max3A_163 = arith.maximumf %max3A_158, %get3A_162 : vector<16xf32>
      %get3A_164 = arith.constant 2 : i32
      %get3A_165 = arith.index_cast %get3A_164 : i32 to index
      %get3A_166 = arith.index_cast %mul3A_37 : i32 to index
      %get3A_167 = tpu.vector_load %arg5[%get3A_165, %get3A_166] {strides = array<i32>} : memref<144x256xf32, #tpu.memory_space<vmem>>, vector<16xf32>,
      %sub3A_168 = arith.subf %get3A_167, %max3A_163 : vector<16xf32>
      %abs3A_169 = math.absf %sub3A_168 : vector<16xf32>
      %add3A_170 = arith.addf %add3A_124, %abs3A_169 : vector<16xf32>
      %get3A_171 = arith.constant 40 : i32
      %get3A_172 = arith.index_cast %get3A_171 : i32 to index
      %get3A_173 = arith.index_cast %mul3A_37 : i32 to index
      %get3A_174 = tpu.vector_load %arg5[%get3A_172, %get3A_173] {strides = array<i32>} : memref<144x256xf32, #tpu.memory_space<vmem>>, vector<16xf32>,
      %get3A_175 = arith.constant 41 : i32
      %get3A_176 = arith.index_cast %get3A_175 : i32 to index
      %get3A_177 = arith.index_cast %mul3A_37 : i32 to index
      %get3A_178 = tpu.vector_load %arg5[%get3A_176, %get3A_177] {strides = array<i32>} : memref<144x256xf32, #tpu.memory_space<vmem>>, vector<16xf32>,
      %max3A_179 = arith.maximumf %get3A_174, %get3A_178 : vector<16xf32>
      %get3A_180 = arith.constant 42 : i32
      %get3A_181 = arith.index_cast %get3A_180 : i32 to index
      %get3A_182 = arith.index_cast %mul3A_37 : i32 to index
      %get3A_183 = tpu.vector_load %arg5[%get3A_181, %get3A_182] {strides = array<i32>} : memref<144x256xf32, #tpu.memory_space<vmem>>, vector<16xf32>,
      %max3A_184 = arith.maximumf %max3A_179, %get3A_183 : vector<16xf32>
      %get3A_185 = arith.constant 43 : i32
      %get3A_186 = arith.index_cast %get3A_185 : i32 to index
      %get3A_187 = arith.index_cast %mul3A_37 : i32 to index
      %get3A_188 = tpu.vector_load %arg5[%get3A_186, %get3A_187] {strides = array<i32>} : memref<144x256xf32, #tpu.memory_space<vmem>>, vector<16xf32>,
      %max3A_189 = arith.maximumf %max3A_184, %get3A_188 : vector<16xf32>
      %get3A_190 = arith.constant 44 : i32
      %get3A_191 = arith.index_cast %get3A_190 : i32 to index
      %get3A_192 = arith.index_cast %mul3A_37 : i32 to index
      %get3A_193 = tpu.vector_load %arg5[%get3A_191, %get3A_192] {strides = array<i32>} : memref<144x256xf32, #tpu.memory_space<vmem>>, vector<16xf32>,
      %max3A_194 = arith.maximumf %max3A_189, %get3A_193 : vector<16xf32>
      %get3A_195 = arith.constant 45 : i32
      %get3A_196 = arith.index_cast %get3A_195 : i32 to index
      %get3A_197 = arith.index_cast %mul3A_37 : i32 to index
      %get3A_198 = tpu.vector_load %arg5[%get3A_196, %get3A_197] {strides = array<i32>} : memref<144x256xf32, #tpu.memory_space<vmem>>, vector<16xf32>,
      %max3A_199 = arith.maximumf %max3A_194, %get3A_198 : vector<16xf32>
      %get3A_200 = arith.constant 46 : i32
      %get3A_201 = arith.index_cast %get3A_200 : i32 to index
      %get3A_202 = arith.index_cast %mul3A_37 : i32 to index
      %get3A_203 = tpu.vector_load %arg5[%get3A_201, %get3A_202] {strides = array<i32>} : memref<144x256xf32, #tpu.memory_space<vmem>>, vector<16xf32>,
      %max3A_204 = arith.maximumf %max3A_199, %get3A_203 : vector<16xf32>
      %get3A_205 = arith.constant 47 : i32
      %get3A_206 = arith.index_cast %get3A_205 : i32 to index
      %get3A_207 = arith.index_cast %mul3A_37 : i32 to index
      %get3A_208 = tpu.vector_load %arg5[%get3A_206, %get3A_207] {strides = array<i32>} : memref<144x256xf32, #tpu.memory_space<vmem>>, vector<16xf32>,
      %max3A_209 = arith.maximumf %max3A_204, %get3A_208 : vector<16xf32>
      %get3A_210 = arith.constant 3 : i32
      %get3A_211 = arith.index_cast %get3A_210 : i32 to index
      %get3A_212 = arith.index_cast %mul3A_37 : i32 to index
      %get3A_213 = tpu.vector_load %arg5[%get3A_211, %get3A_212] {strides = array<i32>} : memref<144x256xf32, #tpu.memory_space<vmem>>, vector<16xf32>,
      %sub3A_214 = arith.subf %get3A_213, %max3A_209 : vector<16xf32>
      %abs3A_215 = math.absf %sub3A_214 : vector<16xf32>
      %add3A_216 = arith.addf %add3A_170, %abs3A_215 : vector<16xf32>
      %get3A_217 = arith.constant 48 : i32
      %get3A_218 = arith.index_cast %get3A_217 : i32 to index
      %get3A_219 = arith.index_cast %mul3A_37 : i32 to index
      %get3A_220 = tpu.vector_load %arg5[%get3A_218, %get3A_219] {strides = array<i32>} : memref<144x256xf32, #tpu.memory_space<vmem>>, vector<16xf32>,
      %get3A_221 = arith.constant 49 : i32
      %get3A_222 = arith.index_cast %get3A_221 : i32 to index
      %get3A_223 = arith.index_cast %mul3A_37 : i32 to index
      %get3A_224 = tpu.vector_load %arg5[%get3A_222, %get3A_223] {strides = array<i32>} : memref<144x256xf32, #tpu.memory_space<vmem>>, vector<16xf32>,
      %max3A_225 = arith.maximumf %get3A_220, %get3A_224 : vector<16xf32>
      %get3A_226 = arith.constant 50 : i32
      %get3A_227 = arith.index_cast %get3A_226 : i32 to index
      %get3A_228 = arith.index_cast %mul3A_37 : i32 to index
      %get3A_229 = tpu.vector_load %arg5[%get3A_227, %get3A_228] {strides = array<i32>} : memref<144x256xf32, #tpu.memory_space<vmem>>, vector<16xf32>,
      %max3A_230 = arith.maximumf %max3A_225, %get3A_229 : vector<16xf32>
      %get3A_231 = arith.constant 51 : i32
      %get3A_232 = arith.index_cast %get3A_231 : i32 to index
      %get3A_233 = arith.index_cast %mul3A_37 : i32 to index
      %get3A_234 = tpu.vector_load %arg5[%get3A_232, %get3A_233] {strides = array<i32>} : memref<144x256xf32, #tpu.memory_space<vmem>>, vector<16xf32>,
      %max3A_235 = arith.maximumf %max3A_230, %get3A_234 : vector<16xf32>
      %get3A_236 = arith.constant 52 : i32
      %get3A_237 = arith.index_cast %get3A_236 : i32 to index
      %get3A_238 = arith.index_cast %mul3A_37 : i32 to index
      %get3A_239 = tpu.vector_load %arg5[%get3A_237, %get3A_238] {strides = array<i32>} : memref<144x256xf32, #tpu.memory_space<vmem>>, vector<16xf32>,
      %max3A_240 = arith.maximumf %max3A_235, %get3A_239 : vector<16xf32>
      %get3A_241 = arith.constant 53 : i32
      %get3A_242 = arith.index_cast %get3A_241 : i32 to index
      %get3A_243 = arith.index_cast %mul3A_37 : i32 to index
      %get3A_244 = tpu.vector_load %arg5[%get3A_242, %get3A_243] {strides = array<i32>} : memref<144x256xf32, #tpu.memory_space<vmem>>, vector<16xf32>,
      %max3A_245 = arith.maximumf %max3A_240, %get3A_244 : vector<16xf32>
      %get3A_246 = arith.constant 54 : i32
      %get3A_247 = arith.index_cast %get3A_246 : i32 to index
      %get3A_248 = arith.index_cast %mul3A_37 : i32 to index
      %get3A_249 = tpu.vector_load %arg5[%get3A_247, %get3A_248] {strides = array<i32>} : memref<144x256xf32, #tpu.memory_space<vmem>>, vector<16xf32>,
      %max3A_250 = arith.maximumf %max3A_245, %get3A_249 : vector<16xf32>
      %get3A_251 = arith.constant 55 : i32
      %get3A_252 = arith.index_cast %get3A_251 : i32 to index
      %get3A_253 = arith.index_cast %mul3A_37 : i32 to index
      %get3A_254 = tpu.vector_load %arg5[%get3A_252, %get3A_253] {strides = array<i32>} : memref<144x256xf32, #tpu.memory_space<vmem>>, vector<16xf32>,
      %max3A_255 = arith.maximumf %max3A_250, %get3A_254 : vector<16xf32>
      %get3A_256 = arith.constant 4 : i32
      %get3A_257 = arith.index_cast %get3A_256 : i32 to index
      %get3A_258 = arith.index_cast %mul3A_37 : i32 to index
      %get3A_259 = tpu.vector_load %arg5[%get3A_257, %get3A_258] {strides = array<i32>} : memref<144x256xf32, #tpu.memory_space<vmem>>, vector<16xf32>,
      %sub3A_260 = arith.subf %get3A_259, %max3A_255 : vector<16xf32>
      %abs3A_261 = math.absf %sub3A_260 : vector<16xf32>
      %add3A_262 = arith.addf %add3A_216, %abs3A_261 : vector<16xf32>
      %get3A_263 = arith.constant 56 : i32
      %get3A_264 = arith.index_cast %get3A_263 : i32 to index
      %get3A_265 = arith.index_cast %mul3A_37 : i32 to index
      %get3A_266 = tpu.vector_load %arg5[%get3A_264, %get3A_265] {strides = array<i32>} : memref<144x256xf32, #tpu.memory_space<vmem>>, vector<16xf32>,
      %get3A_267 = arith.constant 57 : i32
      %get3A_268 = arith.index_cast %get3A_267 : i32 to index
      %get3A_269 = arith.index_cast %mul3A_37 : i32 to index
      %get3A_270 = tpu.vector_load %arg5[%get3A_268, %get3A_269] {strides = array<i32>} : memref<144x256xf32, #tpu.memory_space<vmem>>, vector<16xf32>,
      %max3A_271 = arith.maximumf %get3A_266, %get3A_270 : vector<16xf32>
      %get3A_272 = arith.constant 58 : i32
      %get3A_273 = arith.index_cast %get3A_272 : i32 to index
      %get3A_274 = arith.index_cast %mul3A_37 : i32 to index
      %get3A_275 = tpu.vector_load %arg5[%get3A_273, %get3A_274] {strides = array<i32>} : memref<144x256xf32, #tpu.memory_space<vmem>>, vector<16xf32>,
      %max3A_276 = arith.maximumf %max3A_271, %get3A_275 : vector<16xf32>
      %get3A_277 = arith.constant 59 : i32
      %get3A_278 = arith.index_cast %get3A_277 : i32 to index
      %get3A_279 = arith.index_cast %mul3A_37 : i32 to index
      %get3A_280 = tpu.vector_load %arg5[%get3A_278, %get3A_279] {strides = array<i32>} : memref<144x256xf32, #tpu.memory_space<vmem>>, vector<16xf32>,
      %max3A_281 = arith.maximumf %max3A_276, %get3A_280 : vector<16xf32>
      %get3A_282 = arith.constant 60 : i32
      %get3A_283 = arith.index_cast %get3A_282 : i32 to index
      %get3A_284 = arith.index_cast %mul3A_37 : i32 to index
      %get3A_285 = tpu.vector_load %arg5[%get3A_283, %get3A_284] {strides = array<i32>} : memref<144x256xf32, #tpu.memory_space<vmem>>, vector<16xf32>,
      %max3A_286 = arith.maximumf %max3A_281, %get3A_285 : vector<16xf32>
      %get3A_287 = arith.constant 61 : i32
      %get3A_288 = arith.index_cast %get3A_287 : i32 to index
      %get3A_289 = arith.index_cast %mul3A_37 : i32 to index
      %get3A_290 = tpu.vector_load %arg5[%get3A_288, %get3A_289] {strides = array<i32>} : memref<144x256xf32, #tpu.memory_space<vmem>>, vector<16xf32>,
      %max3A_291 = arith.maximumf %max3A_286, %get3A_290 : vector<16xf32>
      %get3A_292 = arith.constant 62 : i32
      %get3A_293 = arith.index_cast %get3A_292 : i32 to index
      %get3A_294 = arith.index_cast %mul3A_37 : i32 to index
      %get3A_295 = tpu.vector_load %arg5[%get3A_293, %get3A_294] {strides = array<i32>} : memref<144x256xf32, #tpu.memory_space<vmem>>, vector<16xf32>,
      %max3A_296 = arith.maximumf %max3A_291, %get3A_295 : vector<16xf32>
      %get3A_297 = arith.constant 63 : i32
      %get3A_298 = arith.index_cast %get3A_297 : i32 to index
      %get3A_299 = arith.index_cast %mul3A_37 : i32 to index
      %get3A_300 = tpu.vector_load %arg5[%get3A_298, %get3A_299] {strides = array<i32>} : memref<144x256xf32, #tpu.memory_space<vmem>>, vector<16xf32>,
      %max3A_301 = arith.maximumf %max3A_296, %get3A_300 : vector<16xf32>
      %get3A_302 = arith.constant 5 : i32
      %get3A_303 = arith.index_cast %get3A_302 : i32 to index
      %get3A_304 = arith.index_cast %mul3A_37 : i32 to index
      %get3A_305 = tpu.vector_load %arg5[%get3A_303, %get3A_304] {strides = array<i32>} : memref<144x256xf32, #tpu.memory_space<vmem>>, vector<16xf32>,
      %sub3A_306 = arith.subf %get3A_305, %max3A_301 : vector<16xf32>
      %abs3A_307 = math.absf %sub3A_306 : vector<16xf32>
      %add3A_308 = arith.addf %add3A_262, %abs3A_307 : vector<16xf32>
      %get3A_309 = arith.constant 64 : i32
      %get3A_310 = arith.index_cast %get3A_309 : i32 to index
      %get3A_311 = arith.index_cast %mul3A_37 : i32 to index
      %get3A_312 = tpu.vector_load %arg5[%get3A_310, %get3A_311] {strides = array<i32>} : memref<144x256xf32, #tpu.memory_space<vmem>>, vector<16xf32>,
      %get3A_313 = arith.constant 65 : i32
      %get3A_314 = arith.index_cast %get3A_313 : i32 to index
      %get3A_315 = arith.index_cast %mul3A_37 : i32 to index
      %get3A_316 = tpu.vector_load %arg5[%get3A_314, %get3A_315] {strides = array<i32>} : memref<144x256xf32, #tpu.memory_space<vmem>>, vector<16xf32>,
      %max3A_317 = arith.maximumf %get3A_312, %get3A_316 : vector<16xf32>
      %get3A_318 = arith.constant 66 : i32
      %get3A_319 = arith.index_cast %get3A_318 : i32 to index
      %get3A_320 = arith.index_cast %mul3A_37 : i32 to index
      %get3A_321 = tpu.vector_load %arg5[%get3A_319, %get3A_320] {strides = array<i32>} : memref<144x256xf32, #tpu.memory_space<vmem>>, vector<16xf32>,
      %max3A_322 = arith.maximumf %max3A_317, %get3A_321 : vector<16xf32>
      %get3A_323 = arith.constant 67 : i32
      %get3A_324 = arith.index_cast %get3A_323 : i32 to index
      %get3A_325 = arith.index_cast %mul3A_37 : i32 to index
      %get3A_326 = tpu.vector_load %arg5[%get3A_324, %get3A_325] {strides = array<i32>} : memref<144x256xf32, #tpu.memory_space<vmem>>, vector<16xf32>,
      %max3A_327 = arith.maximumf %max3A_322, %get3A_326 : vector<16xf32>
      %get3A_328 = arith.constant 68 : i32
      %get3A_329 = arith.index_cast %get3A_328 : i32 to index
      %get3A_330 = arith.index_cast %mul3A_37 : i32 to index
      %get3A_331 = tpu.vector_load %arg5[%get3A_329, %get3A_330] {strides = array<i32>} : memref<144x256xf32, #tpu.memory_space<vmem>>, vector<16xf32>,
      %max3A_332 = arith.maximumf %max3A_327, %get3A_331 : vector<16xf32>
      %get3A_333 = arith.constant 69 : i32
      %get3A_334 = arith.index_cast %get3A_333 : i32 to index
      %get3A_335 = arith.index_cast %mul3A_37 : i32 to index
      %get3A_336 = tpu.vector_load %arg5[%get3A_334, %get3A_335] {strides = array<i32>} : memref<144x256xf32, #tpu.memory_space<vmem>>, vector<16xf32>,
      %max3A_337 = arith.maximumf %max3A_332, %get3A_336 : vector<16xf32>
      %get3A_338 = arith.constant 70 : i32
      %get3A_339 = arith.index_cast %get3A_338 : i32 to index
      %get3A_340 = arith.index_cast %mul3A_37 : i32 to index
      %get3A_341 = tpu.vector_load %arg5[%get3A_339, %get3A_340] {strides = array<i32>} : memref<144x256xf32, #tpu.memory_space<vmem>>, vector<16xf32>,
      %max3A_342 = arith.maximumf %max3A_337, %get3A_341 : vector<16xf32>
      %get3A_343 = arith.constant 71 : i32
      %get3A_344 = arith.index_cast %get3A_343 : i32 to index
      %get3A_345 = arith.index_cast %mul3A_37 : i32 to index
      %get3A_346 = tpu.vector_load %arg5[%get3A_344, %get3A_345] {strides = array<i32>} : memref<144x256xf32, #tpu.memory_space<vmem>>, vector<16xf32>,
      %max3A_347 = arith.maximumf %max3A_342, %get3A_346 : vector<16xf32>
      %get3A_348 = arith.constant 6 : i32
      %get3A_349 = arith.index_cast %get3A_348 : i32 to index
      %get3A_350 = arith.index_cast %mul3A_37 : i32 to index
      %get3A_351 = tpu.vector_load %arg5[%get3A_349, %get3A_350] {strides = array<i32>} : memref<144x256xf32, #tpu.memory_space<vmem>>, vector<16xf32>,
      %sub3A_352 = arith.subf %get3A_351, %max3A_347 : vector<16xf32>
      %abs3A_353 = math.absf %sub3A_352 : vector<16xf32>
      %add3A_354 = arith.addf %add3A_308, %abs3A_353 : vector<16xf32>
      %get3A_355 = arith.constant 72 : i32
      %get3A_356 = arith.index_cast %get3A_355 : i32 to index
      %get3A_357 = arith.index_cast %mul3A_37 : i32 to index
      %get3A_358 = tpu.vector_load %arg5[%get3A_356, %get3A_357] {strides = array<i32>} : memref<144x256xf32, #tpu.memory_space<vmem>>, vector<16xf32>,
      %get3A_359 = arith.constant 73 : i32
      %get3A_360 = arith.index_cast %get3A_359 : i32 to index
      %get3A_361 = arith.index_cast %mul3A_37 : i32 to index
      %get3A_362 = tpu.vector_load %arg5[%get3A_360, %get3A_361] {strides = array<i32>} : memref<144x256xf32, #tpu.memory_space<vmem>>, vector<16xf32>,
      %max3A_363 = arith.maximumf %get3A_358, %get3A_362 : vector<16xf32>
      %get3A_364 = arith.constant 74 : i32
      %get3A_365 = arith.index_cast %get3A_364 : i32 to index
      %get3A_366 = arith.index_cast %mul3A_37 : i32 to index
      %get3A_367 = tpu.vector_load %arg5[%get3A_365, %get3A_366] {strides = array<i32>} : memref<144x256xf32, #tpu.memory_space<vmem>>, vector<16xf32>,
      %max3A_368 = arith.maximumf %max3A_363, %get3A_367 : vector<16xf32>
      %get3A_369 = arith.constant 75 : i32
      %get3A_370 = arith.index_cast %get3A_369 : i32 to index
      %get3A_371 = arith.index_cast %mul3A_37 : i32 to index
      %get3A_372 = tpu.vector_load %arg5[%get3A_370, %get3A_371] {strides = array<i32>} : memref<144x256xf32, #tpu.memory_space<vmem>>, vector<16xf32>,
      %max3A_373 = arith.maximumf %max3A_368, %get3A_372 : vector<16xf32>
      %get3A_374 = arith.constant 76 : i32
      %get3A_375 = arith.index_cast %get3A_374 : i32 to index
      %get3A_376 = arith.index_cast %mul3A_37 : i32 to index
      %get3A_377 = tpu.vector_load %arg5[%get3A_375, %get3A_376] {strides = array<i32>} : memref<144x256xf32, #tpu.memory_space<vmem>>, vector<16xf32>,
      %max3A_378 = arith.maximumf %max3A_373, %get3A_377 : vector<16xf32>
      %get3A_379 = arith.constant 77 : i32
      %get3A_380 = arith.index_cast %get3A_379 : i32 to index
      %get3A_381 = arith.index_cast %mul3A_37 : i32 to index
      %get3A_382 = tpu.vector_load %arg5[%get3A_380, %get3A_381] {strides = array<i32>} : memref<144x256xf32, #tpu.memory_space<vmem>>, vector<16xf32>,
      %max3A_383 = arith.maximumf %max3A_378, %get3A_382 : vector<16xf32>
      %get3A_384 = arith.constant 78 : i32
      %get3A_385 = arith.index_cast %get3A_384 : i32 to index
      %get3A_386 = arith.index_cast %mul3A_37 : i32 to index
      %get3A_387 = tpu.vector_load %arg5[%get3A_385, %get3A_386] {strides = array<i32>} : memref<144x256xf32, #tpu.memory_space<vmem>>, vector<16xf32>,
      %max3A_388 = arith.maximumf %max3A_383, %get3A_387 : vector<16xf32>
      %get3A_389 = arith.constant 79 : i32
      %get3A_390 = arith.index_cast %get3A_389 : i32 to index
      %get3A_391 = arith.index_cast %mul3A_37 : i32 to index
      %get3A_392 = tpu.vector_load %arg5[%get3A_390, %get3A_391] {strides = array<i32>} : memref<144x256xf32, #tpu.memory_space<vmem>>, vector<16xf32>,
      %max3A_393 = arith.maximumf %max3A_388, %get3A_392 : vector<16xf32>
      %get3A_394 = arith.constant 7 : i32
      %get3A_395 = arith.index_cast %get3A_394 : i32 to index
      %get3A_396 = arith.index_cast %mul3A_37 : i32 to index
      %get3A_397 = tpu.vector_load %arg5[%get3A_395, %get3A_396] {strides = array<i32>} : memref<144x256xf32, #tpu.memory_space<vmem>>, vector<16xf32>,
      %sub3A_398 = arith.subf %get3A_397, %max3A_393 : vector<16xf32>
      %abs3A_399 = math.absf %sub3A_398 : vector<16xf32>
      %add3A_400 = arith.addf %add3A_354, %abs3A_399 : vector<16xf32>
      %get3A_401 = arith.constant 80 : i32
      %get3A_402 = arith.index_cast %get3A_401 : i32 to index
      %get3A_403 = arith.index_cast %mul3A_37 : i32 to index
      %get3A_404 = tpu.vector_load %arg5[%get3A_402, %get3A_403] {strides = array<i32>} : memref<144x256xf32, #tpu.memory_space<vmem>>, vector<16xf32>,
      %get3A_405 = arith.constant 81 : i32
      %get3A_406 = arith.index_cast %get3A_405 : i32 to index
      %get3A_407 = arith.index_cast %mul3A_37 : i32 to index
      %get3A_408 = tpu.vector_load %arg5[%get3A_406, %get3A_407] {strides = array<i32>} : memref<144x256xf32, #tpu.memory_space<vmem>>, vector<16xf32>,
      %max3A_409 = arith.maximumf %get3A_404, %get3A_408 : vector<16xf32>
      %get3A_410 = arith.constant 82 : i32
      %get3A_411 = arith.index_cast %get3A_410 : i32 to index
      %get3A_412 = arith.index_cast %mul3A_37 : i32 to index
      %get3A_413 = tpu.vector_load %arg5[%get3A_411, %get3A_412] {strides = array<i32>} : memref<144x256xf32, #tpu.memory_space<vmem>>, vector<16xf32>,
      %max3A_414 = arith.maximumf %max3A_409, %get3A_413 : vector<16xf32>
      %get3A_415 = arith.constant 83 : i32
      %get3A_416 = arith.index_cast %get3A_415 : i32 to index
      %get3A_417 = arith.index_cast %mul3A_37 : i32 to index
      %get3A_418 = tpu.vector_load %arg5[%get3A_416, %get3A_417] {strides = array<i32>} : memref<144x256xf32, #tpu.memory_space<vmem>>, vector<16xf32>,
      %max3A_419 = arith.maximumf %max3A_414, %get3A_418 : vector<16xf32>
      %get3A_420 = arith.constant 84 : i32
      %get3A_421 = arith.index_cast %get3A_420 : i32 to index
      %get3A_422 = arith.index_cast %mul3A_37 : i32 to index
      %get3A_423 = tpu.vector_load %arg5[%get3A_421, %get3A_422] {strides = array<i32>} : memref<144x256xf32, #tpu.memory_space<vmem>>, vector<16xf32>,
      %max3A_424 = arith.maximumf %max3A_419, %get3A_423 : vector<16xf32>
      %get3A_425 = arith.constant 85 : i32
      %get3A_426 = arith.index_cast %get3A_425 : i32 to index
      %get3A_427 = arith.index_cast %mul3A_37 : i32 to index
      %get3A_428 = tpu.vector_load %arg5[%get3A_426, %get3A_427] {strides = array<i32>} : memref<144x256xf32, #tpu.memory_space<vmem>>, vector<16xf32>,
      %max3A_429 = arith.maximumf %max3A_424, %get3A_428 : vector<16xf32>
      %get3A_430 = arith.constant 86 : i32
      %get3A_431 = arith.index_cast %get3A_430 : i32 to index
      %get3A_432 = arith.index_cast %mul3A_37 : i32 to index
      %get3A_433 = tpu.vector_load %arg5[%get3A_431, %get3A_432] {strides = array<i32>} : memref<144x256xf32, #tpu.memory_space<vmem>>, vector<16xf32>,
      %max3A_434 = arith.maximumf %max3A_429, %get3A_433 : vector<16xf32>
      %get3A_435 = arith.constant 87 : i32
      %get3A_436 = arith.index_cast %get3A_435 : i32 to index
      %get3A_437 = arith.index_cast %mul3A_37 : i32 to index
      %get3A_438 = tpu.vector_load %arg5[%get3A_436, %get3A_437] {strides = array<i32>} : memref<144x256xf32, #tpu.memory_space<vmem>>, vector<16xf32>,
      %max3A_439 = arith.maximumf %max3A_434, %get3A_438 : vector<16xf32>
      %get3A_440 = arith.constant 8 : i32
      %get3A_441 = arith.index_cast %get3A_440 : i32 to index
      %get3A_442 = arith.index_cast %mul3A_37 : i32 to index
      %get3A_443 = tpu.vector_load %arg5[%get3A_441, %get3A_442] {strides = array<i32>} : memref<144x256xf32, #tpu.memory_space<vmem>>, vector<16xf32>,
      %sub3A_444 = arith.subf %get3A_443, %max3A_439 : vector<16xf32>
      %abs3A_445 = math.absf %sub3A_444 : vector<16xf32>
      %add3A_446 = arith.addf %add3A_400, %abs3A_445 : vector<16xf32>
      %get3A_447 = arith.constant 88 : i32
      %get3A_448 = arith.index_cast %get3A_447 : i32 to index
      %get3A_449 = arith.index_cast %mul3A_37 : i32 to index
      %get3A_450 = tpu.vector_load %arg5[%get3A_448, %get3A_449] {strides = array<i32>} : memref<144x256xf32, #tpu.memory_space<vmem>>, vector<16xf32>,
      %get3A_451 = arith.constant 89 : i32
      %get3A_452 = arith.index_cast %get3A_451 : i32 to index
      %get3A_453 = arith.index_cast %mul3A_37 : i32 to index
      %get3A_454 = tpu.vector_load %arg5[%get3A_452, %get3A_453] {strides = array<i32>} : memref<144x256xf32, #tpu.memory_space<vmem>>, vector<16xf32>,
      %max3A_455 = arith.maximumf %get3A_450, %get3A_454 : vector<16xf32>
      %get3A_456 = arith.constant 90 : i32
      %get3A_457 = arith.index_cast %get3A_456 : i32 to index
      %get3A_458 = arith.index_cast %mul3A_37 : i32 to index
      %get3A_459 = tpu.vector_load %arg5[%get3A_457, %get3A_458] {strides = array<i32>} : memref<144x256xf32, #tpu.memory_space<vmem>>, vector<16xf32>,
      %max3A_460 = arith.maximumf %max3A_455, %get3A_459 : vector<16xf32>
      %get3A_461 = arith.constant 91 : i32
      %get3A_462 = arith.index_cast %get3A_461 : i32 to index
      %get3A_463 = arith.index_cast %mul3A_37 : i32 to index
      %get3A_464 = tpu.vector_load %arg5[%get3A_462, %get3A_463] {strides = array<i32>} : memref<144x256xf32, #tpu.memory_space<vmem>>, vector<16xf32>,
      %max3A_465 = arith.maximumf %max3A_460, %get3A_464 : vector<16xf32>
      %get3A_466 = arith.constant 92 : i32
      %get3A_467 = arith.index_cast %get3A_466 : i32 to index
      %get3A_468 = arith.index_cast %mul3A_37 : i32 to index
      %get3A_469 = tpu.vector_load %arg5[%get3A_467, %get3A_468] {strides = array<i32>} : memref<144x256xf32, #tpu.memory_space<vmem>>, vector<16xf32>,
      %max3A_470 = arith.maximumf %max3A_465, %get3A_469 : vector<16xf32>
      %get3A_471 = arith.constant 93 : i32
      %get3A_472 = arith.index_cast %get3A_471 : i32 to index
      %get3A_473 = arith.index_cast %mul3A_37 : i32 to index
      %get3A_474 = tpu.vector_load %arg5[%get3A_472, %get3A_473] {strides = array<i32>} : memref<144x256xf32, #tpu.memory_space<vmem>>, vector<16xf32>,
      %max3A_475 = arith.maximumf %max3A_470, %get3A_474 : vector<16xf32>
      %get3A_476 = arith.constant 94 : i32
      %get3A_477 = arith.index_cast %get3A_476 : i32 to index
      %get3A_478 = arith.index_cast %mul3A_37 : i32 to index
      %get3A_479 = tpu.vector_load %arg5[%get3A_477, %get3A_478] {strides = array<i32>} : memref<144x256xf32, #tpu.memory_space<vmem>>, vector<16xf32>,
      %max3A_480 = arith.maximumf %max3A_475, %get3A_479 : vector<16xf32>
      %get3A_481 = arith.constant 95 : i32
      %get3A_482 = arith.index_cast %get3A_481 : i32 to index
      %get3A_483 = arith.index_cast %mul3A_37 : i32 to index
      %get3A_484 = tpu.vector_load %arg5[%get3A_482, %get3A_483] {strides = array<i32>} : memref<144x256xf32, #tpu.memory_space<vmem>>, vector<16xf32>,
      %max3A_485 = arith.maximumf %max3A_480, %get3A_484 : vector<16xf32>
      %get3A_486 = arith.constant 9 : i32
      %get3A_487 = arith.index_cast %get3A_486 : i32 to index
      %get3A_488 = arith.index_cast %mul3A_37 : i32 to index
      %get3A_489 = tpu.vector_load %arg5[%get3A_487, %get3A_488] {strides = array<i32>} : memref<144x256xf32, #tpu.memory_space<vmem>>, vector<16xf32>,
      %sub3A_490 = arith.subf %get3A_489, %max3A_485 : vector<16xf32>
      %abs3A_491 = math.absf %sub3A_490 : vector<16xf32>
      %add3A_492 = arith.addf %add3A_446, %abs3A_491 : vector<16xf32>
      %get3A_493 = arith.constant 96 : i32
      %get3A_494 = arith.index_cast %get3A_493 : i32 to index
      %get3A_495 = arith.index_cast %mul3A_37 : i32 to index
      %get3A_496 = tpu.vector_load %arg5[%get3A_494, %get3A_495] {strides = array<i32>} : memref<144x256xf32, #tpu.memory_space<vmem>>, vector<16xf32>,
      %get3A_497 = arith.constant 97 : i32
      %get3A_498 = arith.index_cast %get3A_497 : i32 to index
      %get3A_499 = arith.index_cast %mul3A_37 : i32 to index
      %get3A_500 = tpu.vector_load %arg5[%get3A_498, %get3A_499] {strides = array<i32>} : memref<144x256xf32, #tpu.memory_space<vmem>>, vector<16xf32>,
      %max3A_501 = arith.maximumf %get3A_496, %get3A_500 : vector<16xf32>
      %get3A_502 = arith.constant 98 : i32
      %get3A_503 = arith.index_cast %get3A_502 : i32 to index
      %get3A_504 = arith.index_cast %mul3A_37 : i32 to index
      %get3A_505 = tpu.vector_load %arg5[%get3A_503, %get3A_504] {strides = array<i32>} : memref<144x256xf32, #tpu.memory_space<vmem>>, vector<16xf32>,
      %max3A_506 = arith.maximumf %max3A_501, %get3A_505 : vector<16xf32>
      %get3A_507 = arith.constant 99 : i32
      %get3A_508 = arith.index_cast %get3A_507 : i32 to index
      %get3A_509 = arith.index_cast %mul3A_37 : i32 to index
      %get3A_510 = tpu.vector_load %arg5[%get3A_508, %get3A_509] {strides = array<i32>} : memref<144x256xf32, #tpu.memory_space<vmem>>, vector<16xf32>,
      %max3A_511 = arith.maximumf %max3A_506, %get3A_510 : vector<16xf32>
      %get3A_512 = arith.constant 100 : i32
      %get3A_513 = arith.index_cast %get3A_512 : i32 to index
      %get3A_514 = arith.index_cast %mul3A_37 : i32 to index
      %get3A_515 = tpu.vector_load %arg5[%get3A_513, %get3A_514] {strides = array<i32>} : memref<144x256xf32, #tpu.memory_space<vmem>>, vector<16xf32>,
      %max3A_516 = arith.maximumf %max3A_511, %get3A_515 : vector<16xf32>
      %get3A_517 = arith.constant 101 : i32
      %get3A_518 = arith.index_cast %get3A_517 : i32 to index
      %get3A_519 = arith.index_cast %mul3A_37 : i32 to index
      %get3A_520 = tpu.vector_load %arg5[%get3A_518, %get3A_519] {strides = array<i32>} : memref<144x256xf32, #tpu.memory_space<vmem>>, vector<16xf32>,
      %max3A_521 = arith.maximumf %max3A_516, %get3A_520 : vector<16xf32>
      %get3A_522 = arith.constant 102 : i32
      %get3A_523 = arith.index_cast %get3A_522 : i32 to index
      %get3A_524 = arith.index_cast %mul3A_37 : i32 to index
      %get3A_525 = tpu.vector_load %arg5[%get3A_523, %get3A_524] {strides = array<i32>} : memref<144x256xf32, #tpu.memory_space<vmem>>, vector<16xf32>,
      %max3A_526 = arith.maximumf %max3A_521, %get3A_525 : vector<16xf32>
      %get3A_527 = arith.constant 103 : i32
      %get3A_528 = arith.index_cast %get3A_527 : i32 to index
      %get3A_529 = arith.index_cast %mul3A_37 : i32 to index
      %get3A_530 = tpu.vector_load %arg5[%get3A_528, %get3A_529] {strides = array<i32>} : memref<144x256xf32, #tpu.memory_space<vmem>>, vector<16xf32>,
      %max3A_531 = arith.maximumf %max3A_526, %get3A_530 : vector<16xf32>
      %get3A_532 = arith.constant 10 : i32
      %get3A_533 = arith.index_cast %get3A_532 : i32 to index
      %get3A_534 = arith.index_cast %mul3A_37 : i32 to index
      %get3A_535 = tpu.vector_load %arg5[%get3A_533, %get3A_534] {strides = array<i32>} : memref<144x256xf32, #tpu.memory_space<vmem>>, vector<16xf32>,
      %sub3A_536 = arith.subf %get3A_535, %max3A_531 : vector<16xf32>
      %abs3A_537 = math.absf %sub3A_536 : vector<16xf32>
      %add3A_538 = arith.addf %add3A_492, %abs3A_537 : vector<16xf32>
      %get3A_539 = arith.constant 104 : i32
      %get3A_540 = arith.index_cast %get3A_539 : i32 to index
      %get3A_541 = arith.index_cast %mul3A_37 : i32 to index
      %get3A_542 = tpu.vector_load %arg5[%get3A_540, %get3A_541] {strides = array<i32>} : memref<144x256xf32, #tpu.memory_space<vmem>>, vector<16xf32>,
      %get3A_543 = arith.constant 105 : i32
      %get3A_544 = arith.index_cast %get3A_543 : i32 to index
      %get3A_545 = arith.index_cast %mul3A_37 : i32 to index
      %get3A_546 = tpu.vector_load %arg5[%get3A_544, %get3A_545] {strides = array<i32>} : memref<144x256xf32, #tpu.memory_space<vmem>>, vector<16xf32>,
      %max3A_547 = arith.maximumf %get3A_542, %get3A_546 : vector<16xf32>
      %get3A_548 = arith.constant 106 : i32
      %get3A_549 = arith.index_cast %get3A_548 : i32 to index
      %get3A_550 = arith.index_cast %mul3A_37 : i32 to index
      %get3A_551 = tpu.vector_load %arg5[%get3A_549, %get3A_550] {strides = array<i32>} : memref<144x256xf32, #tpu.memory_space<vmem>>, vector<16xf32>,
      %max3A_552 = arith.maximumf %max3A_547, %get3A_551 : vector<16xf32>
      %get3A_553 = arith.constant 107 : i32
      %get3A_554 = arith.index_cast %get3A_553 : i32 to index
      %get3A_555 = arith.index_cast %mul3A_37 : i32 to index
      %get3A_556 = tpu.vector_load %arg5[%get3A_554, %get3A_555] {strides = array<i32>} : memref<144x256xf32, #tpu.memory_space<vmem>>, vector<16xf32>,
      %max3A_557 = arith.maximumf %max3A_552, %get3A_556 : vector<16xf32>
      %get3A_558 = arith.constant 108 : i32
      %get3A_559 = arith.index_cast %get3A_558 : i32 to index
      %get3A_560 = arith.index_cast %mul3A_37 : i32 to index
      %get3A_561 = tpu.vector_load %arg5[%get3A_559, %get3A_560] {strides = array<i32>} : memref<144x256xf32, #tpu.memory_space<vmem>>, vector<16xf32>,
      %max3A_562 = arith.maximumf %max3A_557, %get3A_561 : vector<16xf32>
      %get3A_563 = arith.constant 109 : i32
      %get3A_564 = arith.index_cast %get3A_563 : i32 to index
      %get3A_565 = arith.index_cast %mul3A_37 : i32 to index
      %get3A_566 = tpu.vector_load %arg5[%get3A_564, %get3A_565] {strides = array<i32>} : memref<144x256xf32, #tpu.memory_space<vmem>>, vector<16xf32>,
      %max3A_567 = arith.maximumf %max3A_562, %get3A_566 : vector<16xf32>
      %get3A_568 = arith.constant 110 : i32
      %get3A_569 = arith.index_cast %get3A_568 : i32 to index
      %get3A_570 = arith.index_cast %mul3A_37 : i32 to index
      %get3A_571 = tpu.vector_load %arg5[%get3A_569, %get3A_570] {strides = array<i32>} : memref<144x256xf32, #tpu.memory_space<vmem>>, vector<16xf32>,
      %max3A_572 = arith.maximumf %max3A_567, %get3A_571 : vector<16xf32>
      %get3A_573 = arith.constant 111 : i32
      %get3A_574 = arith.index_cast %get3A_573 : i32 to index
      %get3A_575 = arith.index_cast %mul3A_37 : i32 to index
      %get3A_576 = tpu.vector_load %arg5[%get3A_574, %get3A_575] {strides = array<i32>} : memref<144x256xf32, #tpu.memory_space<vmem>>, vector<16xf32>,
      %max3A_577 = arith.maximumf %max3A_572, %get3A_576 : vector<16xf32>
      %get3A_578 = arith.constant 11 : i32
      %get3A_579 = arith.index_cast %get3A_578 : i32 to index
      %get3A_580 = arith.index_cast %mul3A_37 : i32 to index
      %get3A_581 = tpu.vector_load %arg5[%get3A_579, %get3A_580] {strides = array<i32>} : memref<144x256xf32, #tpu.memory_space<vmem>>, vector<16xf32>,
      %sub3A_582 = arith.subf %get3A_581, %max3A_577 : vector<16xf32>
      %abs3A_583 = math.absf %sub3A_582 : vector<16xf32>
      %add3A_584 = arith.addf %add3A_538, %abs3A_583 : vector<16xf32>
      %get3A_585 = arith.constant 112 : i32
      %get3A_586 = arith.index_cast %get3A_585 : i32 to index
      %get3A_587 = arith.index_cast %mul3A_37 : i32 to index
      %get3A_588 = tpu.vector_load %arg5[%get3A_586, %get3A_587] {strides = array<i32>} : memref<144x256xf32, #tpu.memory_space<vmem>>, vector<16xf32>,
      %get3A_589 = arith.constant 113 : i32
      %get3A_590 = arith.index_cast %get3A_589 : i32 to index
      %get3A_591 = arith.index_cast %mul3A_37 : i32 to index
      %get3A_592 = tpu.vector_load %arg5[%get3A_590, %get3A_591] {strides = array<i32>} : memref<144x256xf32, #tpu.memory_space<vmem>>, vector<16xf32>,
      %max3A_593 = arith.maximumf %get3A_588, %get3A_592 : vector<16xf32>
      %get3A_594 = arith.constant 114 : i32
      %get3A_595 = arith.index_cast %get3A_594 : i32 to index
      %get3A_596 = arith.index_cast %mul3A_37 : i32 to index
      %get3A_597 = tpu.vector_load %arg5[%get3A_595, %get3A_596] {strides = array<i32>} : memref<144x256xf32, #tpu.memory_space<vmem>>, vector<16xf32>,
      %max3A_598 = arith.maximumf %max3A_593, %get3A_597 : vector<16xf32>
      %get3A_599 = arith.constant 115 : i32
      %get3A_600 = arith.index_cast %get3A_599 : i32 to index
      %get3A_601 = arith.index_cast %mul3A_37 : i32 to index
      %get3A_602 = tpu.vector_load %arg5[%get3A_600, %get3A_601] {strides = array<i32>} : memref<144x256xf32, #tpu.memory_space<vmem>>, vector<16xf32>,
      %max3A_603 = arith.maximumf %max3A_598, %get3A_602 : vector<16xf32>
      %get3A_604 = arith.constant 116 : i32
      %get3A_605 = arith.index_cast %get3A_604 : i32 to index
      %get3A_606 = arith.index_cast %mul3A_37 : i32 to index
      %get3A_607 = tpu.vector_load %arg5[%get3A_605, %get3A_606] {strides = array<i32>} : memref<144x256xf32, #tpu.memory_space<vmem>>, vector<16xf32>,
      %max3A_608 = arith.maximumf %max3A_603, %get3A_607 : vector<16xf32>
      %get3A_609 = arith.constant 117 : i32
      %get3A_610 = arith.index_cast %get3A_609 : i32 to index
      %get3A_611 = arith.index_cast %mul3A_37 : i32 to index
      %get3A_612 = tpu.vector_load %arg5[%get3A_610, %get3A_611] {strides = array<i32>} : memref<144x256xf32, #tpu.memory_space<vmem>>, vector<16xf32>,
      %max3A_613 = arith.maximumf %max3A_608, %get3A_612 : vector<16xf32>
      %get3A_614 = arith.constant 118 : i32
      %get3A_615 = arith.index_cast %get3A_614 : i32 to index
      %get3A_616 = arith.index_cast %mul3A_37 : i32 to index
      %get3A_617 = tpu.vector_load %arg5[%get3A_615, %get3A_616] {strides = array<i32>} : memref<144x256xf32, #tpu.memory_space<vmem>>, vector<16xf32>,
      %max3A_618 = arith.maximumf %max3A_613, %get3A_617 : vector<16xf32>
      %get3A_619 = arith.constant 119 : i32
      %get3A_620 = arith.index_cast %get3A_619 : i32 to index
      %get3A_621 = arith.index_cast %mul3A_37 : i32 to index
      %get3A_622 = tpu.vector_load %arg5[%get3A_620, %get3A_621] {strides = array<i32>} : memref<144x256xf32, #tpu.memory_space<vmem>>, vector<16xf32>,
      %max3A_623 = arith.maximumf %max3A_618, %get3A_622 : vector<16xf32>
      %get3A_624 = arith.constant 12 : i32
      %get3A_625 = arith.index_cast %get3A_624 : i32 to index
      %get3A_626 = arith.index_cast %mul3A_37 : i32 to index
      %get3A_627 = tpu.vector_load %arg5[%get3A_625, %get3A_626] {strides = array<i32>} : memref<144x256xf32, #tpu.memory_space<vmem>>, vector<16xf32>,
      %sub3A_628 = arith.subf %get3A_627, %max3A_623 : vector<16xf32>
      %abs3A_629 = math.absf %sub3A_628 : vector<16xf32>
      %add3A_630 = arith.addf %add3A_584, %abs3A_629 : vector<16xf32>
      %get3A_631 = arith.constant 120 : i32
      %get3A_632 = arith.index_cast %get3A_631 : i32 to index
      %get3A_633 = arith.index_cast %mul3A_37 : i32 to index
      %get3A_634 = tpu.vector_load %arg5[%get3A_632, %get3A_633] {strides = array<i32>} : memref<144x256xf32, #tpu.memory_space<vmem>>, vector<16xf32>,
      %get3A_635 = arith.constant 121 : i32
      %get3A_636 = arith.index_cast %get3A_635 : i32 to index
      %get3A_637 = arith.index_cast %mul3A_37 : i32 to index
      %get3A_638 = tpu.vector_load %arg5[%get3A_636, %get3A_637] {strides = array<i32>} : memref<144x256xf32, #tpu.memory_space<vmem>>, vector<16xf32>,
      %max3A_639 = arith.maximumf %get3A_634, %get3A_638 : vector<16xf32>
      %get3A_640 = arith.constant 122 : i32
      %get3A_641 = arith.index_cast %get3A_640 : i32 to index
      %get3A_642 = arith.index_cast %mul3A_37 : i32 to index
      %get3A_643 = tpu.vector_load %arg5[%get3A_641, %get3A_642] {strides = array<i32>} : memref<144x256xf32, #tpu.memory_space<vmem>>, vector<16xf32>,
      %max3A_644 = arith.maximumf %max3A_639, %get3A_643 : vector<16xf32>
      %get3A_645 = arith.constant 123 : i32
      %get3A_646 = arith.index_cast %get3A_645 : i32 to index
      %get3A_647 = arith.index_cast %mul3A_37 : i32 to index
      %get3A_648 = tpu.vector_load %arg5[%get3A_646, %get3A_647] {strides = array<i32>} : memref<144x256xf32, #tpu.memory_space<vmem>>, vector<16xf32>,
      %max3A_649 = arith.maximumf %max3A_644, %get3A_648 : vector<16xf32>
      %get3A_650 = arith.constant 124 : i32
      %get3A_651 = arith.index_cast %get3A_650 : i32 to index
      %get3A_652 = arith.index_cast %mul3A_37 : i32 to index
      %get3A_653 = tpu.vector_load %arg5[%get3A_651, %get3A_652] {strides = array<i32>} : memref<144x256xf32, #tpu.memory_space<vmem>>, vector<16xf32>,
      %max3A_654 = arith.maximumf %max3A_649, %get3A_653 : vector<16xf32>
      %get3A_655 = arith.constant 125 : i32
      %get3A_656 = arith.index_cast %get3A_655 : i32 to index
      %get3A_657 = arith.index_cast %mul3A_37 : i32 to index
      %get3A_658 = tpu.vector_load %arg5[%get3A_656, %get3A_657] {strides = array<i32>} : memref<144x256xf32, #tpu.memory_space<vmem>>, vector<16xf32>,
      %max3A_659 = arith.maximumf %max3A_654, %get3A_658 : vector<16xf32>
      %get3A_660 = arith.constant 126 : i32
      %get3A_661 = arith.index_cast %get3A_660 : i32 to index
      %get3A_662 = arith.index_cast %mul3A_37 : i32 to index
      %get3A_663 = tpu.vector_load %arg5[%get3A_661, %get3A_662] {strides = array<i32>} : memref<144x256xf32, #tpu.memory_space<vmem>>, vector<16xf32>,
      %max3A_664 = arith.maximumf %max3A_659, %get3A_663 : vector<16xf32>
      %get3A_665 = arith.constant 127 : i32
      %get3A_666 = arith.index_cast %get3A_665 : i32 to index
      %get3A_667 = arith.index_cast %mul3A_37 : i32 to index
      %get3A_668 = tpu.vector_load %arg5[%get3A_666, %get3A_667] {strides = array<i32>} : memref<144x256xf32, #tpu.memory_space<vmem>>, vector<16xf32>,
      %max3A_669 = arith.maximumf %max3A_664, %get3A_668 : vector<16xf32>
      %get3A_670 = arith.constant 13 : i32
      %get3A_671 = arith.index_cast %get3A_670 : i32 to index
      %get3A_672 = arith.index_cast %mul3A_37 : i32 to index
      %get3A_673 = tpu.vector_load %arg5[%get3A_671, %get3A_672] {strides = array<i32>} : memref<144x256xf32, #tpu.memory_space<vmem>>, vector<16xf32>,
      %sub3A_674 = arith.subf %get3A_673, %max3A_669 : vector<16xf32>
      %abs3A_675 = math.absf %sub3A_674 : vector<16xf32>
      %add3A_676 = arith.addf %add3A_630, %abs3A_675 : vector<16xf32>
      %get3A_677 = arith.constant 128 : i32
      %get3A_678 = arith.index_cast %get3A_677 : i32 to index
      %get3A_679 = arith.index_cast %mul3A_37 : i32 to index
      %get3A_680 = tpu.vector_load %arg5[%get3A_678, %get3A_679] {strides = array<i32>} : memref<144x256xf32, #tpu.memory_space<vmem>>, vector<16xf32>,
      %get3A_681 = arith.constant 129 : i32
      %get3A_682 = arith.index_cast %get3A_681 : i32 to index
      %get3A_683 = arith.index_cast %mul3A_37 : i32 to index
      %get3A_684 = tpu.vector_load %arg5[%get3A_682, %get3A_683] {strides = array<i32>} : memref<144x256xf32, #tpu.memory_space<vmem>>, vector<16xf32>,
      %max3A_685 = arith.maximumf %get3A_680, %get3A_684 : vector<16xf32>
      %get3A_686 = arith.constant 130 : i32
      %get3A_687 = arith.index_cast %get3A_686 : i32 to index
      %get3A_688 = arith.index_cast %mul3A_37 : i32 to index
      %get3A_689 = tpu.vector_load %arg5[%get3A_687, %get3A_688] {strides = array<i32>} : memref<144x256xf32, #tpu.memory_space<vmem>>, vector<16xf32>,
      %max3A_690 = arith.maximumf %max3A_685, %get3A_689 : vector<16xf32>
      %get3A_691 = arith.constant 131 : i32
      %get3A_692 = arith.index_cast %get3A_691 : i32 to index
      %get3A_693 = arith.index_cast %mul3A_37 : i32 to index
      %get3A_694 = tpu.vector_load %arg5[%get3A_692, %get3A_693] {strides = array<i32>} : memref<144x256xf32, #tpu.memory_space<vmem>>, vector<16xf32>,
      %max3A_695 = arith.maximumf %max3A_690, %get3A_694 : vector<16xf32>
      %get3A_696 = arith.constant 132 : i32
      %get3A_697 = arith.index_cast %get3A_696 : i32 to index
      %get3A_698 = arith.index_cast %mul3A_37 : i32 to index
      %get3A_699 = tpu.vector_load %arg5[%get3A_697, %get3A_698] {strides = array<i32>} : memref<144x256xf32, #tpu.memory_space<vmem>>, vector<16xf32>,
      %max3A_700 = arith.maximumf %max3A_695, %get3A_699 : vector<16xf32>
      %get3A_701 = arith.constant 133 : i32
      %get3A_702 = arith.index_cast %get3A_701 : i32 to index
      %get3A_703 = arith.index_cast %mul3A_37 : i32 to index
      %get3A_704 = tpu.vector_load %arg5[%get3A_702, %get3A_703] {strides = array<i32>} : memref<144x256xf32, #tpu.memory_space<vmem>>, vector<16xf32>,
      %max3A_705 = arith.maximumf %max3A_700, %get3A_704 : vector<16xf32>
      %get3A_706 = arith.constant 134 : i32
      %get3A_707 = arith.index_cast %get3A_706 : i32 to index
      %get3A_708 = arith.index_cast %mul3A_37 : i32 to index
      %get3A_709 = tpu.vector_load %arg5[%get3A_707, %get3A_708] {strides = array<i32>} : memref<144x256xf32, #tpu.memory_space<vmem>>, vector<16xf32>,
      %max3A_710 = arith.maximumf %max3A_705, %get3A_709 : vector<16xf32>
      %get3A_711 = arith.constant 135 : i32
      %get3A_712 = arith.index_cast %get3A_711 : i32 to index
      %get3A_713 = arith.index_cast %mul3A_37 : i32 to index
      %get3A_714 = tpu.vector_load %arg5[%get3A_712, %get3A_713] {strides = array<i32>} : memref<144x256xf32, #tpu.memory_space<vmem>>, vector<16xf32>,
      %max3A_715 = arith.maximumf %max3A_710, %get3A_714 : vector<16xf32>
      %get3A_716 = arith.constant 14 : i32
      %get3A_717 = arith.index_cast %get3A_716 : i32 to index
      %get3A_718 = arith.index_cast %mul3A_37 : i32 to index
      %get3A_719 = tpu.vector_load %arg5[%get3A_717, %get3A_718] {strides = array<i32>} : memref<144x256xf32, #tpu.memory_space<vmem>>, vector<16xf32>,
      %sub3A_720 = arith.subf %get3A_719, %max3A_715 : vector<16xf32>
      %abs3A_721 = math.absf %sub3A_720 : vector<16xf32>
      %add3A_722 = arith.addf %add3A_676, %abs3A_721 : vector<16xf32>
      %get3A_723 = arith.constant 136 : i32
      %get3A_724 = arith.index_cast %get3A_723 : i32 to index
      %get3A_725 = arith.index_cast %mul3A_37 : i32 to index
      %get3A_726 = tpu.vector_load %arg5[%get3A_724, %get3A_725] {strides = array<i32>} : memref<144x256xf32, #tpu.memory_space<vmem>>, vector<16xf32>,
      %get3A_727 = arith.constant 137 : i32
      %get3A_728 = arith.index_cast %get3A_727 : i32 to index
      %get3A_729 = arith.index_cast %mul3A_37 : i32 to index
      %get3A_730 = tpu.vector_load %arg5[%get3A_728, %get3A_729] {strides = array<i32>} : memref<144x256xf32, #tpu.memory_space<vmem>>, vector<16xf32>,
      %max3A_731 = arith.maximumf %get3A_726, %get3A_730 : vector<16xf32>
      %get3A_732 = arith.constant 138 : i32
      %get3A_733 = arith.index_cast %get3A_732 : i32 to index
      %get3A_734 = arith.index_cast %mul3A_37 : i32 to index
      %get3A_735 = tpu.vector_load %arg5[%get3A_733, %get3A_734] {strides = array<i32>} : memref<144x256xf32, #tpu.memory_space<vmem>>, vector<16xf32>,
      %max3A_736 = arith.maximumf %max3A_731, %get3A_735 : vector<16xf32>
      %get3A_737 = arith.constant 139 : i32
      %get3A_738 = arith.index_cast %get3A_737 : i32 to index
      %get3A_739 = arith.index_cast %mul3A_37 : i32 to index
      %get3A_740 = tpu.vector_load %arg5[%get3A_738, %get3A_739] {strides = array<i32>} : memref<144x256xf32, #tpu.memory_space<vmem>>, vector<16xf32>,
      %max3A_741 = arith.maximumf %max3A_736, %get3A_740 : vector<16xf32>
      %get3A_742 = arith.constant 140 : i32
      %get3A_743 = arith.index_cast %get3A_742 : i32 to index
      %get3A_744 = arith.index_cast %mul3A_37 : i32 to index
      %get3A_745 = tpu.vector_load %arg5[%get3A_743, %get3A_744] {strides = array<i32>} : memref<144x256xf32, #tpu.memory_space<vmem>>, vector<16xf32>,
      %max3A_746 = arith.maximumf %max3A_741, %get3A_745 : vector<16xf32>
      %get3A_747 = arith.constant 141 : i32
      %get3A_748 = arith.index_cast %get3A_747 : i32 to index
      %get3A_749 = arith.index_cast %mul3A_37 : i32 to index
      %get3A_750 = tpu.vector_load %arg5[%get3A_748, %get3A_749] {strides = array<i32>} : memref<144x256xf32, #tpu.memory_space<vmem>>, vector<16xf32>,
      %max3A_751 = arith.maximumf %max3A_746, %get3A_750 : vector<16xf32>
      %get3A_752 = arith.constant 142 : i32
      %get3A_753 = arith.index_cast %get3A_752 : i32 to index
      %get3A_754 = arith.index_cast %mul3A_37 : i32 to index
      %get3A_755 = tpu.vector_load %arg5[%get3A_753, %get3A_754] {strides = array<i32>} : memref<144x256xf32, #tpu.memory_space<vmem>>, vector<16xf32>,
      %max3A_756 = arith.maximumf %max3A_751, %get3A_755 : vector<16xf32>
      %get3A_757 = arith.constant 143 : i32
      %get3A_758 = arith.index_cast %get3A_757 : i32 to index
      %get3A_759 = arith.index_cast %mul3A_37 : i32 to index
      %get3A_760 = tpu.vector_load %arg5[%get3A_758, %get3A_759] {strides = array<i32>} : memref<144x256xf32, #tpu.memory_space<vmem>>, vector<16xf32>,
      %max3A_761 = arith.maximumf %max3A_756, %get3A_760 : vector<16xf32>
      %get3A_762 = arith.constant 15 : i32
      %get3A_763 = arith.index_cast %get3A_762 : i32 to index
      %get3A_764 = arith.index_cast %mul3A_37 : i32 to index
      %get3A_765 = tpu.vector_load %arg5[%get3A_763, %get3A_764] {strides = array<i32>} : memref<144x256xf32, #tpu.memory_space<vmem>>, vector<16xf32>,
      %sub3A_766 = arith.subf %get3A_765, %max3A_761 : vector<16xf32>
      %abs3A_767 = math.absf %sub3A_766 : vector<16xf32>
      %add3A_768 = arith.addf %add3A_722, %abs3A_767 : vector<16xf32>
      %add3A_769 = arith.addf %scan3A_35, %add3A_768 : vector<16xf32>
      scf.yield %add3A_769 : vector<16xf32>
    }
    %scan3A_32 = arith.constant 16 : i32
    %swap3A = arith.constant 0 : index
    %swap3A_33 = tpu.vector_load %arg6[%swap3A] {strides = array<i32>} : memref<16xf32, #tpu.memory_space<vmem>>, vector<16xf32>,
    tpu.vector_store %arg6[%swap3A], %scan3A_31 {strides = array<i32>} : memref<16xf32, #tpu.memory_space<vmem>>, vector<16xf32>,
    "tpu.region"() ({
      %run_scoped3A = tpu.sem_alloc : memref<!tpu.dma_semaphore, #tpu.memory_space<semaphore_mem>>
      %dma_start3A_34 = arith.constant 0 : i32
      %dma_start3A_35 = tpu.memref_slice %arg3[%add3A, %dma_start3A_34] : memref<32x16xf32, #tpu.memory_space<hbm>> -> memref<1x16xf32, #tpu.memory_space<hbm>>
      %dma_start3A_36 = tpu.memref_squeeze %dma_start3A_35 : memref<1x16xf32, #tpu.memory_space<hbm>> -> memref<16xf32, #tpu.memory_space<hbm>>
      %dma_start3A_37 = arith.constant 0 : i32
      %dma_start3A_38 = tpu.memref_slice %arg3[%add3A, %dma_start3A_37] : memref<32x16xf32, #tpu.memory_space<hbm>> -> memref<1x16xf32, #tpu.memory_space<hbm>>
      %dma_start3A_39 = tpu.memref_squeeze %dma_start3A_38 : memref<1x16xf32, #tpu.memory_space<hbm>> -> memref<16xf32, #tpu.memory_space<hbm>>
      tpu.enqueue_dma source(%arg6 : memref<16xf32, #tpu.memory_space<vmem>>) target(%dma_start3A_39 : memref<16xf32, #tpu.memory_space<hbm>>) target_semaphore(%run_scoped3A : memref<!tpu.dma_semaphore, #tpu.memory_space<semaphore_mem>>)
      %dma_wait3A_40 = arith.constant 0 : i32
      %dma_wait3A_41 = tpu.memref_slice %arg3[%add3A, %dma_wait3A_40] : memref<32x16xf32, #tpu.memory_space<hbm>> -> memref<1x16xf32, #tpu.memory_space<hbm>>
      %dma_wait3A_42 = tpu.memref_squeeze %dma_wait3A_41 : memref<1x16xf32, #tpu.memory_space<hbm>> -> memref<16xf32, #tpu.memory_space<hbm>>
      %dma_wait3A_43 = arith.constant 0 : i32
      %dma_wait3A_44 = tpu.memref_slice %arg3[%add3A, %dma_wait3A_43] : memref<32x16xf32, #tpu.memory_space<hbm>> -> memref<1x16xf32, #tpu.memory_space<hbm>>
      %dma_wait3A_45 = tpu.memref_squeeze %dma_wait3A_44 : memref<1x16xf32, #tpu.memory_space<hbm>> -> memref<16xf32, #tpu.memory_space<hbm>>
      tpu.wait_dma2 semaphore(%run_scoped3A : memref<!tpu.dma_semaphore, #tpu.memory_space<semaphore_mem>>) src(%arg6 : memref<16xf32, #tpu.memory_space<vmem>>) dst(%dma_wait3A_45 : memref<16xf32, #tpu.memory_space<hbm>>)
      tpu.yield
    }) : () -> ()
    return
  }
}

</mosaic_0001>

<sc_bundles>
// kernel: kernel.3.cloned.1.call-start
scs
__scs_entry_jumppad:
0x0: {  	(pc) =	sbr.rel $0x88, $3  }
0x1: {  	(tag) =	ssettag $0x0;
	lr =	simm.s32 $0x1  }
0x2: {  	[smem:$0x3FA0] =	sst lr;
	_ =	strace $0xD0000000  }
0x3: {  	_ = 	snop  }
0x4: {  	_ = 	snop  }
0x5: {  	_ = 	snop  }
0x6: {  	_ = 	snop  }
0x7: {  	_ = 	snop  }
__scs_overlays_trampoline_lowered:
0x8: {  	[smem:$0x3FAF] =	sst s0  }
0x9: {  	[smem:$0x3FB0] =	sst s1  }
0xa: {  	[smem:$0x3FB1] =	sst s2  }
0xb: {  	[smem:$0x3FB2] =	sst s3  }
0xc: {  	[smem:$0x3FB3] =	sst s4  }
0xd: {  	[smem:$0x3FB4] =	sst s5  }
0xe: {  	[smem:$0x3FB5] =	sst s6  }
0xf: {  	[smem:$0x3FB6] =	sst s7  }
0x10: {  	[smem:$0x3FB7] =	sst s8  }
0x11: {  	[smem:$0x3FB8] =	sst s9;
	s0 =	simm.s32 @!p0 $0x0  }
0x12: {  	s1 =	sld [smem:$0x3F9E];
	s0 =	simm.s32 @p0 $0x1  }
0x13: {  	[smem:$0x3FB9] =	sst s0;
	s0 =	simm.s32 @!p1 $0x0  }
0x14: {  	s2 =	sld [smem:$0x3F9D];
	s0 =	simm.s32 @p1 $0x1  }
0x15: {  	[smem:$0x3FBA] =	sst s0;
	s0 =	simm.s32 @!p2 $0x0  }
0x16: {  	s3 =	sld [smem:$0x3FDB];
	s0 =	simm.s32 @p2 $0x1  }
0x17: {  	s4 =	simm.s32 $0x1BF5;
	[smem:$0x3FBC] =	sst s0  }
0x18: {  	s0 =	sld [smem:$0x3F9F];
	_ =	swait.ge [sflag:s4], $0x0  }
0x19: {  	s7 =	sld [smem:$0x3FA0]  }
0x1a: {  	s8 =	sadd.s32 $0xFFFFE003, lr  }
0x1b: {  	s9 =	sadd.s32 $0xFFFFFEF7, lr;
	s5 =	simm.s32 $0xFFFFFFFF;
	p2 =	slt.u32 s8, $0xFFFFF086  }
0x1c: {  	p1 =	slt.u32 s9, $0xF7A;
	s5 =	simm.s32 @!p2 $0x0  }
0x1d: {  	s5 =	simm.s32 @p1 $0x1;
	p0 =	seq.s32 s7, s2  }
0x1e: {  	s7 =	smul.u32 @!p0 $0xF7A, s2;
	p2 =	seq.s32 @!p0 s5, $0x0  }
0x1f: {  	s9 =	smul.u32 $0xF7A, s1;
	s8 =	simm.s32 @!p0 $0x1BF5;
	p2 =	por !p2, p0  }
0x20: {  	[sflag:s8] =	ssyncset.s32 @!p0 $0xFFFFF086;
	s6 =	sadd.s32 @!p0 s3, s7;
	s7 =	simm.s32 @!p0 $0x108  }
0x21: {  	s3 =	sadd.s32 s3, s9;
	s6 =	sadd.s32 @!p0 $0x88, s6;
	s7 =	simm.s32 @p2 $0x1082  }
0x22: {  	[simem:s7], [sflag:s8] =	dma.local @!p0 [hbm:s6], $0xF7A  }
0x23: {  	s9 =	sor.u32 $0xD0000000, s2;
	s6 =	simm.s32 $0x108;
	_ =	swait.ge @!p0 [sflag:s8], $0x0  }
0x24: {  	s3 =	sadd.s32 $0x88, s3;
	s6 =	simm.s32 @!p1 $0x1082;
	[sflag:s4] =	ssyncset.s32 $0xFFFFF086  }
0x25: {  	[simem:s6], [sflag:s4] =	dma.local [hbm:s3], $0xF7A  }
0x26: {  	[smem:$0x3FA0] =	sst s1;
	(tag) =	ssettag s2;
	_ =	strace s9  }
0x27: {  	s1 =	sld [smem:$0x3FB0]  }
0x28: {  	s2 =	sld [smem:$0x3FB1]  }
0x29: {  	s4 =	sld [smem:$0x3FB3]  }
0x2a: {  	p0 =	seq.s32 s5, $0x0;
	s5 =	sld [smem:$0x3FB4]  }
0x2b: {  	s6 =	sld [smem:$0x3FB5]  }
0x2c: {  	s7 =	sld [smem:$0x3FB6]  }
0x2d: {  	s3 =	simm.s32 $0x108;
	s8 =	sld [smem:$0x3FB7]  }
0x2e: {  	s3 =	simm.s32 @!p0 $0x1082;
	s9 =	sld [smem:$0x3FB8]  }
0x2f: {  	lr =	sadd.s32 s0, s3;
	s0 =	sld [smem:$0x3FAF]  }
0x30: {  	s3 =	sld [smem:$0x3FB2]  }
0x31: {  	[smem:$0x3FBB] =	sst s10  }
0x32: {  	s10 =	sld [smem:$0x3FB9];
	_ =	sdelay $0x3  }
0x33: {  	p0 =	seq.s32 s10, $0x1;
	s10 =	sld [smem:$0x3FBB];
	_ =	sdelay $0x3  }
0x34: {  	[smem:$0x3FBB] =	sst s10  }
0x35: {  	s10 =	sld [smem:$0x3FBA];
	_ =	sdelay $0x3  }
0x36: {  	p1 =	seq.s32 s10, $0x1;
	s10 =	sld [smem:$0x3FBB];
	_ =	sdelay $0x3  }
0x37: {  	[smem:$0x3FBB] =	sst s10  }
0x38: {  	s10 =	sld [smem:$0x3FBC]  }
0x39: {  	_ = 	snop;
	(pc) =	sbr.ind lr, $3  }
0x3a: {  	_ = 	snop  }
0x3b: {  	_ = 	snop  }
0x3c: {  	p2 =	seq.s32 s10, $0x1;
	s10 =	sld [smem:$0x3FBB]  }
0x3d: {  	_ =	shalt  }
0x3e: {  	_ =	shalt  }
0x3f: {  	_ =	shalt  }
0x40: {  	_ =	shalt  }
0x41: {  	_ =	shalt  }
0x42: {  	_ =	shalt  }
0x43: {  	_ =	shalt  }
0x44: {  	_ =	shalt  }
0x45: {  	_ =	shalt  }
0x46: {  	_ =	shalt  }
0x47: {  	_ =	shalt  }
0x48: {  	_ =	shalt  }
0x49: {  	_ =	shalt  }
0x4a: {  	_ =	shalt  }
0x4b: {  	_ =	shalt  }
0x4c: {  	_ =	shalt  }
0x4d: {  	_ =	shalt  }
0x4e: {  	_ =	shalt  }
0x4f: {  	_ =	shalt  }
0x50: {  	_ =	shalt  }
0x51: {  	_ =	shalt  }
0x52: {  	_ =	shalt  }
0x53: {  	_ =	shalt  }
0x54: {  	_ =	shalt  }
0x55: {  	_ =	shalt  }
0x56: {  	_ =	shalt  }
0x57: {  	_ =	shalt  }
0x58: {  	_ =	shalt  }
0x59: {  	_ =	shalt  }
0x5a: {  	_ =	shalt  }
0x5b: {  	_ =	shalt  }
0x5c: {  	_ =	shalt  }
0x5d: {  	_ =	shalt  }
0x5e: {  	_ =	shalt  }
0x5f: {  	_ =	shalt  }
0x60: {  	_ =	shalt  }
0x61: {  	_ =	shalt  }
0x62: {  	_ =	shalt  }
0x63: {  	_ =	shalt  }
0x64: {  	_ =	shalt  }
0x65: {  	_ =	shalt  }
0x66: {  	_ =	shalt  }
0x67: {  	_ =	shalt  }
0x68: {  	_ =	shalt  }
0x69: {  	_ =	shalt  }
0x6a: {  	_ =	shalt  }
0x6b: {  	_ =	shalt  }
0x6c: {  	_ =	shalt  }
0x6d: {  	_ =	shalt  }
0x6e: {  	_ =	shalt  }
0x6f: {  	_ =	shalt  }
0x70: {  	_ =	shalt  }
0x71: {  	_ =	shalt  }
0x72: {  	_ =	shalt  }
0x73: {  	_ =	shalt  }
0x74: {  	_ =	shalt  }
0x75: {  	_ =	shalt  }
0x76: {  	_ =	shalt  }
0x77: {  	_ =	shalt  }
0x78: {  	_ =	shalt  }
0x79: {  	_ =	shalt  }
0x7a: {  	_ =	shalt  }
0x7b: {  	_ =	shalt  }
0x7c: {  	_ =	shalt  }
0x7d: {  	_ =	shalt  }
0x7e: {  	_ =	shalt  }
0x7f: {  	_ =	shalt  }
0x80: {  	_ =	shalt  }
0x81: {  	_ =	shalt  }
0x82: {  	_ =	shalt  }
0x83: {  	_ =	shalt  }
0x84: {  	_ =	shalt  }
0x85: {  	_ =	shalt  }
0x86: {  	_ =	shalt  }
0x87: {  	_ =	shalt  }
.Lfunc_end0:
.L_simem_size_0:
called_computation_lowered:
.L_overlay_start_0:
0x88: {  	s2 =	sld [smem:$0x3FD9]  }
0x89: {  	s3 =	sld [smem:$0x3FFE];
	_ =	sdelay $0x1  }
0x8a: {  	s1 =	srdreg.scid  }
0x8b: {  	s0 =	sand.u32 $0x1, s1  }
0x8c: {  	s17 =	sshll.u32 s0, $0xA;
	s2 =	sadd.s32 s3, s2  }
0x8d: {  	s2 =	sadd.s32 s2, s17  }
0x8e: {  	[smem:$0x3FC7] =	sst s2  }
0x8f: {  	_ = 	snop  }
0x90: {  	s2 =	sld [smem:$0x3FC9];
	(tm) =	ssettm $0x1  }
0x91: {  	s18 =	sld [smem:$0x3FFB];
	_ =	sdelay $0x3  }
0x92: {  	_ =	strace s18  }
0x93: {  	s3 =	sld [smem:$0x3FFC];
	_ =	sdelay $0x3  }
0x94: {  	_ =	strace s3  }
0x95: {  	s3 =	sld [smem:$0x3FFD];
	_ =	sdelay $0x3  }
0x96: {  	_ =	strace s3  }
0x97: {  	_ =	strace $0x8FFFFFFF  }
0x98: {  	s19 =	sld [smem:$0x3FDB];
	_ =	sdelay $0x1  }
0x99: {  	s4 =	simm.s32 $_scs_section_size  }
0x9a: {  	s5 =	simm.s32 $_size__tile_overlayer_lowered;
	s6 =	simm.s32 $_tile_overlayer_lowered  }
0x9b: {  	s22 =	simm.s32 $0x1BFF;
	s21 =	sshll.u32 s6, $0x1;
	s3 =	sadd.s32 s4, s19  }
0x9c: {  	s7 =	simm.s32 $0x0;
	s20 =	sshll.u32 s5, $0x1;
	s5 =	sadd.s32 s21, s3  }
0x9d: {  	[timem:s7], [sflag:s22] =	dma.local [hbm:s5], s20  }
0x9e: {  	_ =	swait.ge [sflag:s22], s20  }
0x9f: {  	s4 =	ssub.s32 $0x0, s20;
	[sflag:s22] =	ssyncset.done $0x0  }
0xa0: {  	[sflag:s22] =	ssyncadd.s32 s4;
	_ =	sdelay $0x1  }
0xa1: {  	s23 =	simm.s32 $0x1B8B  }
0xa2: {  	_ =	swait.ge [sflag:s23], $0x1  }
0xa3: {  	[sflag:s23] =	ssyncset.done $0x0  }
0xa4: {  	s25 =	simm.s32 $0x1B8E;
	s24 =	sld [smem:$0x3FFE];
	[sflag:s23] =	ssyncadd.s32 $0xFFFFFFFF  }
0xa5: {  	s26 =	simm.s32 $execute0_lowered;
	[smem:$0x3FD2] =	sst s25  }
0xa6: {  	s5 =	sshll.u32 s26, $0x1;
	_ =	strace $0x80000046;
	[dreg:$0x1] =	wrdreg $0xFFFFFFFF  }
0xa7: {  	s28 =	simm.s32 $_size_execute0_lowered;
	s3 =	sadd.s32 s3, s5;
	[dreg:$0x0] =	wrdreg $0x0  }
0xa8: {  	s5 =	sshll.u32 s28, $0x1;
	[dreg:$0x2] =	wrdreg s3  }
0xa9: {  	[dreg:$0x3] =	wrdreg s5  }
0xaa: {  	[dreg:$0x4] =	wrdreg $0xC0  }
0xab: {  	_ =	task [dreg:s7], $0x5FFFF  }
0xac: {  	[dreg:$0x1] =	wrdreg $0xFFFFFFFF  }
0xad: {  	[dreg:$0x0] =	wrdreg $0x60  }
0xae: {  	[dreg:$0x2] =	wrdreg s2  }
0xaf: {  	[dreg:$0x3] =	wrdreg s24  }
0xb0: {  	[dreg:$0x4] =	wrdreg $0x9  }
0xb1: {  	_ =	task.clear_ibuf [dreg:s7], $0x5FFFF;
	_ =	strace $0x90000046  }
0xb2: {  	s29 =	simm.s32 $0x9;
	_ =	strace $0x80000048  }
0xb3: {  	_ =	swait.ge [sflag:s29], $0x1  }
0xb4: {  	[sflag:s29] =	ssyncadd.s32 $0xFFFFFFFF  }
0xb5: {  	_ =	strace $0x90000048  }
0xb6: {  	_ =	sfence  }
0xb7: {  	s30 =	sld [smem:$0x0];
	_ =	sdelay $0x2  }
0xb8: {  	s31 =	sshll.u32 s1, $0xD;
	s1 =	sshrl.u32 s1, $0x2  }
0xb9: {  	s3 =	sand.u32 $0x4000, s31;
	s1 =	sadd.s32 s1, s30  }
0xba: {  	s0 =	sor.u32 s3, s0;
	s1 =	sshll.u32 s1, $0x11  }
0xbb: {  	s0 =	sor.u32 s1, s0  }
0xbc: {  	s0 =	sadd.s32 $0x8F2B, s0  }
0xbd: {  	[sflag:s0] =	ssyncadd.remote.s32 $0x1  }
0xbe: {  	_ =	sfence.sel $0xFFFF  }
0xbf: {  	[dreg:$0x0] =	wrdreg $0xFFFFFFFF;
	(pc) =	sbr.abs _section_cstart, $3  }
0xc0: {  	[dreg:$0x1] =	wrdreg $0xFFFFFFFF  }
0xc1: {  	_ =	task.clear_ibuf [dreg:s7], $0x2FFFF;
	_ =	strace $0x9FFFFFFF  }
0xc2: {  	(tm) =	ssettm $0x7FFFFFFF  }
0xc3: {  	_ =	shalt  }
tec
execute0_lowered:
.L_overlay_start_1:
0x0: {  	(tag) =	ssettag $0x1  }
0x1: {  	s3 =	rddreg [dreg:$0x0]  }
0x2: {  	s5 =	rddreg [dreg:$0x1]  }
0x3: {  	s0 =	rddreg [dreg:$0x2];
	s4 =	srdreg.scid  }
0x4: {  	s1 =	stileid.u32;
	s2 =	simm.s32 $0x0;
	s9 =	simm.s32 $0x9000  }
0x5: {  	s10 =	simm.s32 $0x1;
	s11 =	simm.s32 $0x2;
	s12 =	simm.s32 $0x12000  }
0x6: {  	s13 =	simm.s32 $0x3;
	s4 =	sand.u32 $0x1, s4;
	s6 =	sshll.u32 s1, $0x1  }
0x7: {  	s14 =	simm.s32 $0x0;
	[smem:$0x7FF] =	sst s2;
	s6 =	sor.u32 s4, s6  }
0x8: {  	_ =	strace $0x80000047;
	s4 =	ssub.s32 $0x2, s4;
	s7 =	sshll.u32 s6, $0x9  }
0x9: {  	s8 =	sshrl.u32 s4, $0x1;
	s6 =	sshll.u32 s6, $0x4;
	s3 =	sadd.s32 s3, s7  }
0xa: {  	s31 =	ssub.s32 s4, s8;
	s5 =	sadd.s32 s5, s6;
	s7 =	simm.s32 $0x800  }
0xb: {  	s8 =	simm.s32 $0x20000;
	s4 =	sadd.s32 $0x100, s3;
	s6 =	smax.u32 s31, $0x1  }
.LBB2_1:
0xc: {  	[tilespmem:s2], [sflag:$0x1] =	stream.strided.gather [hbm4b:s3+s7], $0x9000, s8, s7, $0x38;
	[tilespmem:$0x12080] =	vst v63  }
0xd: {  	_ = 	snop  }
0xe: {  	[tilespmem:s9], [sflag:$0x2] =	stream.strided.gather [hbm4b:s4+s7], $0x9000, s8, s7, $0x38;
	[tilespmem:$0x12080] =	vst v63  }
0xf: {  	_ =	swait.ge [sflag:s10], $0x9000  }
0x10: {  	s15 =	sand.u32 $0x70, s2;
	s16 =	sand.u32 $0x400, s2;
	[sflag:s10] =	ssyncset.done $0x0  }
0x11: {  	s15 =	sor.u32 s15, s16;
	[sflag:s10] =	ssyncadd.s32 $0xFFFF7000  }
0x12: {  	v0 =	vld [tilespmem:s15+$0x8980];
	_ =	sdelay $0x4  }
0x13: {  	[tilespmem:$0x1FDF0] =	vst v0;
	v0 =	vld [tilespmem:s15+$0x8180];
	_ =	sdelay $0x4  }
0x14: {  	[tilespmem:$0x1FE00] =	vst v0;
	v0 =	vld [tilespmem:s15+$0x7A00];
	_ =	sdelay $0x4  }
0x15: {  	[tilespmem:$0x1FE10] =	vst v0;
	v0 =	vld [tilespmem:s15+$0x7980];
	_ =	sdelay $0x4  }
0x16: {  	[tilespmem:$0x1FE20] =	vst v0;
	v0 =	vld [tilespmem:s15+$0x900];
	_ =	sdelay $0x4  }
0x17: {  	[tilespmem:$0x1FE30] =	vst v0;
	v0 =	vld [tilespmem:s15+$0x7200];
	_ =	sdelay $0x4  }
0x18: {  	[tilespmem:$0x1FE40] =	vst v0;
	v0 =	vld [tilespmem:s15+$0x6380];
	_ =	sdelay $0x4  }
0x19: {  	[tilespmem:$0x1FE50] =	vst v0;
	v0 =	vld [tilespmem:s15+$0x7180];
	_ =	sdelay $0x4  }
0x1a: {  	[tilespmem:$0x1FE60] =	vst v0;
	v0 =	vld [tilespmem:s15+$0x880];
	_ =	sdelay $0x4  }
0x1b: {  	[tilespmem:$0x1FE70] =	vst v0;
	v0 =	vld [tilespmem:s15+$0x6A00];
	_ =	sdelay $0x4  }
0x1c: {  	[tilespmem:$0x1FE80] =	vst v0;
	v0 =	vld [tilespmem:s15+$0x7100];
	_ =	sdelay $0x4  }
0x1d: {  	[tilespmem:$0x1FF90] =	vst v0;
	v0 =	vld [tilespmem:s15+$0x5B80];
	_ =	sdelay $0x4  }
0x1e: {  	[tilespmem:$0x1FE90] =	vst v0;
	v0 =	vld [tilespmem:s15+$0x6980];
	_ =	sdelay $0x4  }
0x1f: {  	[tilespmem:$0x1FEA0] =	vst v0;
	v0 =	vld [tilespmem:s15+$0x800];
	_ =	sdelay $0x4  }
0x20: {  	[tilespmem:$0x1FEB0] =	vst v0;
	v0 =	vld [tilespmem:s15+$0x6200];
	_ =	sdelay $0x4  }
0x21: {  	[tilespmem:$0x1FEC0] =	vst v0;
	v0 =	vld [tilespmem:s15+$0x6900];
	_ =	sdelay $0x4  }
0x22: {  	[tilespmem:$0x1FFC0] =	vst v0;
	v0 =	vld [tilespmem:s15+$0x5380];
	_ =	sdelay $0x2  }
0x23: {  	s31 =	sor.u32 s2, s2  }
0x24: {  	s16 =	sor.u32 $0x380, s31  }
0x25: {  	[tilespmem:$0x1FED0] =	vst v0;
	v0 =	vld [tilespmem:s16+$0x0];
	_ =	sdelay $0x4  }
0x26: {  	[tilespmem:$0x1FEE0] =	vst v0;
	v0 =	vld [tilespmem:s15+$0x5A00];
	_ =	sdelay $0x4  }
0x27: {  	[tilespmem:$0x1FEF0] =	vst v0;
	v0 =	vld [tilespmem:s15+$0x6100];
	_ =	sdelay $0x4  }
0x28: {  	[tilespmem:$0x1FFB0] =	vst v0;
	v0 =	vld [tilespmem:s15+$0x4B80];
	_ =	sdelay $0x4  }
0x29: {  	[tilespmem:$0x1FF00] =	vst v0;
	v0 =	vld [tilespmem:s15+$0x300];
	_ =	sdelay $0x3  }
0x2a: {  	v51 =	vld [tilespmem:s15+$0xB00]  }
0x2b: {  	[tilespmem:$0x1FF10] =	vst v0;
	v0 =	vld [tilespmem:s15+$0x5900]  }
0x2c: {  	v46 =	vld [tilespmem:s15+$0x8380]  }
0x2d: {  	v55 =	vld [tilespmem:s15+$0xA80]  }
0x2e: {  	v53 =	vld [tilespmem:s15+$0x8A00]  }
0x2f: {  	v57 =	vld [tilespmem:s15+$0x7B80]  }
0x30: {  	[tilespmem:$0x1FFA0] =	vst v0;
	v0 =	vld [tilespmem:s15+$0x4380]  }
0x31: {  	v58 =	vld [tilespmem:s15+$0xA00]  }
0x32: {  	v3 =	vld [tilespmem:s15+$0x8200]  }
0x33: {  	v1 =	vld [tilespmem:s15+$0x8900]  }
0x34: {  	v59 =	vld [tilespmem:s15+$0x7380]  }
0x35: {  	[tilespmem:$0x1FF20] =	vst v0;
	v0 =	vld [tilespmem:s15+$0x280]  }
0x36: {  	v17 =	vld [tilespmem:s15+$0x8800]  }
0x37: {  	v24 =	vld [tilespmem:s15+$0x8880]  }
0x38: {  	v61 =	vld [tilespmem:s15+$0x980]  }
0x39: {  	v35 =	vld [tilespmem:s15+$0x8100]  }
0x3a: {  	[tilespmem:$0x1FF30] =	vst v0;
	v0 =	vld [tilespmem:s15+$0x5100]  }
0x3b: {  	v63 =	vld [tilespmem:s15+$0x6B80]  }
0x3c: {  	v32 =	vld [tilespmem:s15+$0x8000]  }
0x3d: {  	v39 =	vld [tilespmem:s15+$0x8080]  }
0x3e: {  	v49 =	vld [tilespmem:s15+$0x7900]  }
0x3f: {  	[tilespmem:$0x1FFF0] =	vst v0;
	v0 =	vld [tilespmem:s15+$0x3B80]  }
0x40: {  	v45 =	vld [tilespmem:s15+$0x7800]  }
0x41: {  	v50 =	vld [tilespmem:s15+$0x7880]  }
0x42: {  	v38 =	vld [tilespmem:s15+$0x7000]  }
0x43: {  	v22 =	vld [tilespmem:s15+$0x7080]  }
0x44: {  	[tilespmem:$0x1FF40] =	vst v0;
	v0 =	vld [tilespmem:s15+$0x200]  }
0x45: {  	v7 =	vld [tilespmem:s15+$0x6180]  }
0x46: {  	v33 =	vld [tilespmem:s15+$0x6800]  }
0x47: {  	v34 =	vld [tilespmem:s15+$0x6880]  }
0x48: {  	v10 =	vld [tilespmem:s15+$0x5980]  }
0x49: {  	[tilespmem:$0x1FF50] =	vst v0;
	v0 =	vld [tilespmem:s15+$0x4900]  }
0x4a: {  	v36 =	vld [tilespmem:s15+$0x6000]  }
0x4b: {  	v37 =	vld [tilespmem:s15+$0x6080]  }
0x4c: {  	v5 =	vld [tilespmem:s15+$0x5200]  }
0x4d: {  	v15 =	vld [tilespmem:s15+$0x5180]  }
0x4e: {  	[tilespmem:$0x1FFE0] =	vst v0;
	v0 =	vld [tilespmem:s15+$0x3380]  }
0x4f: {  	v40 =	vld [tilespmem:s15+$0x5800]  }
0x50: {  	v41 =	vld [tilespmem:s15+$0x5880]  }
0x51: {  	v6 =	vld [tilespmem:s15+$0x4A00]  }
0x52: {  	v18 =	vld [tilespmem:s15+$0x4980]  }
0x53: {  	[tilespmem:$0x1FF60] =	vst v0;
	v0 =	vld [tilespmem:s15+$0x180]  }
0x54: {  	v43 =	vld [tilespmem:s15+$0x5000]  }
0x55: {  	v44 =	vld [tilespmem:s15+$0x5080]  }
0x56: {  	v11 =	vld [tilespmem:s15+$0x4200]  }
0x57: {  	v19 =	vld [tilespmem:s15+$0x4180]  }
0x58: {  	[tilespmem:$0x1FF70] =	vst v0;
	v0 =	vld [tilespmem:s15+$0x4100]  }
0x59: {  	v47 =	vld [tilespmem:s15+$0x4800]  }
0x5a: {  	v48 =	vld [tilespmem:s15+$0x4880]  }
0x5b: {  	v16 =	vld [tilespmem:s15+$0x3A00]  }
0x5c: {  	v21 =	vld [tilespmem:s15+$0x3980]  }
0x5d: {  	[tilespmem:$0x1FFD0] =	vst v0;
	v0 =	vld [tilespmem:s15+$0x2B80]  }
0x5e: {  	v52 =	vld [tilespmem:s15+$0x4000]  }
0x5f: {  	v54 =	vld [tilespmem:s15+$0x4080]  }
0x60: {  	v27 =	vld [tilespmem:s15+$0x1800]  }
0x61: {  	v32 =	vmax.f32 v32, v39;
	v39 =	vmax.f32 v33, v34;
	v34 =	vld [tilespmem:s15+$0x1880]  }
0x62: {  	[tilespmem:$0x1FF80] =	vst v0;
	v0 =	vld [tilespmem:$0x1FF90]  }
0x63: {  	v8 =	vld [tilespmem:s15+$0x2B00]  }
0x64: {  	v9 =	vld [tilespmem:s15+$0x3200]  }
0x65: {  	v29 =	vld [tilespmem:s15+$0x2800]  }
0x66: {  	v28 =	vld [tilespmem:s15+$0x2880];
	v38 =	vmax.f32 v38, v22  }
0x67: {  	v33 =	vmax.f32 v27, v34;
	v27 =	vmax.f32 v38, v0;
	v0 =	vld [tilespmem:$0x1FFA0]  }
0x68: {  	v56 =	vld [tilespmem:s15+$0x3900]  }
0x69: {  	v14 =	vld [tilespmem:s15+$0x2A80]  }
0x6a: {  	v23 =	vld [tilespmem:s15+$0x3180]  }
0x6b: {  	v60 =	vld [tilespmem:s15+$0x3800];
	v40 =	vmax.f32 v40, v41  }
0x6c: {  	v47 =	vmax.f32 v47, v48;
	v48 =	vmax.f32 v29, v28;
	v28 =	vmax.f32 v40, v0;
	v0 =	vld [tilespmem:$0x1FFB0]  }
0x6d: {  	v62 =	vld [tilespmem:s15+$0x3880]  }
0x6e: {  	v12 =	vld [tilespmem:s15+$0x0]  }
0x6f: {  	v13 =	vld [tilespmem:s15+$0x80]  }
0x70: {  	v20 =	vld [tilespmem:s15+$0x2A00];
	v41 =	vmax.f32 v36, v37  }
0x71: {  	v38 =	vmax.f32 v41, v0;
	v0 =	vld [tilespmem:$0x1FFC0]  }
0x72: {  	v42 =	vld [tilespmem:s15+$0x3100]  }
0x73: {  	v31 =	vld [tilespmem:s15+$0x3000]  }
0x74: {  	v30 =	vld [tilespmem:s15+$0x3080]  }
0x75: {  	v4 =	vld [tilespmem:s15+$0x2000]  }
0x76: {  	v39 =	vmax.f32 v39, v0;
	v0 =	vld [tilespmem:$0x1FFD0]  }
0x77: {  	v2 =	vld [tilespmem:s15+$0x2080]  }
0x78: {  	v26 =	vld [tilespmem:s15+$0x1000]  }
0x79: {  	v25 =	vld [tilespmem:s15+$0x1080]  }
0x7a: {  	v22 =	vld [tilespmem:s15+$0x1380];
	v52 =	vmax.f32 v52, v54  }
0x7b: {  	v29 =	vmax.f32 v52, v0;
	v0 =	vld [tilespmem:$0x1FFE0]  }
0x7c: {  	v24 =	vmax.f32 v17, v24;
	v17 =	vmax.f32 v45, v50;
	v50 =	vmax.f32 v60, v62;
	v60 =	vld [tilespmem:s15+$0x2900]  }
0x7d: {  	v43 =	vmax.f32 v43, v44;
	v44 =	vld [tilespmem:s15+$0x2100]  }
0x7e: {  	v45 =	vmax.f32 v4, v2;
	v4 =	vld [tilespmem:s15+$0x1100]  }
0x7f: {  	v2 =	vld [tilespmem:s15+$0x1900]  }
0x80: {  	v40 =	vmax.f32 v47, v0;
	v0 =	vld [tilespmem:$0x1FFF0]  }
0x81: {  	v62 =	vmax.f32 v26, v25;
	v26 =	vld [tilespmem:s15+$0x2980]  }
0x82: {  	v54 =	vmax.f32 v31, v30;
	v25 =	vld [tilespmem:s15+$0x1300];
	v31 =	vmax.f32 v24, v1;
	v36 =	vmax.f32 v17, v49  }
0x83: {  	v37 =	vmax.f32 v32, v35;
	v24 =	vld [tilespmem:s15+$0x1B80];
	v42 =	vmax.f32 v54, v42;
	v30 =	vmax.f32 v48, v60  }
0x84: {  	v32 =	vld [tilespmem:s15+$0x2180];
	v34 =	vmax.f32 v62, v4;
	v44 =	vmax.f32 v45, v44;
	v33 =	vmax.f32 v33, v2  }
0x85: {  	s17 =	simm.s32 $0x0;
	v45 =	vld [tilespmem:s15+$0x1180];
	s16 =	simm.s32 $0x10;
	v47 =	vimm.f32 $0.0e+00;
	v41 =	vmax.f32 v43, v0;
	v43 =	vmax.f32 v50, v56  }
.LBB2_2:
0x86: {  	v0 =	vld [tilespmem:$0x1FE20];
	_ =	sdelay $0x4  }
0x87: {  	v4 =	vmax.f32 v36, v0;
	v0 =	vld [tilespmem:$0x1FE00];
	_ =	sdelay $0x4  }
0x88: {  	v49 =	vmax.f32 v37, v0;
	v0 =	vld [tilespmem:$0x1FDF0];
	_ =	sdelay $0x4  }
0x89: {  	v31 =	vmax.f32 v31, v0;
	v0 =	vld [tilespmem:$0x1FEA0];
	_ =	sdelay $0x4  }
0x8a: {  	v50 =	vmax.f32 v38, v7;
	v7 =	vmax.f32 v39, v0;
	v0 =	vld [tilespmem:$0x1FE60];
	_ =	sdelay $0x4  }
0x8b: {  	v27 =	vmax.f32 v27, v0;
	v0 =	vld [tilespmem:$0x1FE80]  }
0x8c: {  	v2 =	vld [tilespmem:s15+$0x1980]  }
0x8d: {  	v35 =	vld [tilespmem:s15+$0x2200]  }
0x8e: {  	v52 =	vld [tilespmem:s15+$0x1280]  }
0x8f: {  	v54 =	vld [tilespmem:s15+$0x1A00]  }
0x90: {  	v60 =	vmax.f32 v7, v0;
	v0 =	vld [tilespmem:$0x1FE40]  }
0x91: {  	v56 =	vld [tilespmem:s15+$0x1A80]  }
0x92: {  	v1 =	vld [tilespmem:$0x1FEC0];
	v18 =	vmax.f32 v40, v18  }
0x93: {  	v15 =	vmax.f32 v41, v15;
	v10 =	vmax.f32 v28, v10;
	v28 =	vld [tilespmem:s15+$0x1200];
	v21 =	vmax.f32 v43, v21  }
0x94: {  	v26 =	vmax.f32 v30, v26;
	v30 =	vmax.f32 v33, v2;
	v2 =	vmax.f32 v31, v53;
	v31 =	vld [tilespmem:s15+$0x1B00]  }
0x95: {  	v19 =	vmax.f32 v29, v19;
	v29 =	vmax.f32 v34, v45;
	v7 =	vmax.f32 v27, v0;
	v0 =	vld [tilespmem:$0x1FE10]  }
0x96: {  	v32 =	vmax.f32 v44, v32;
	v5 =	vmax.f32 v15, v5;
	v16 =	vmax.f32 v21, v16;
	v27 =	vld [tilespmem:s15+$0x2280]  }
0x97: {  	v15 =	vld [tilespmem:s15+$0x2300];
	v11 =	vmax.f32 v19, v11;
	v6 =	vmax.f32 v18, v6;
	v20 =	vmax.f32 v26, v20  }
0x98: {  	v21 =	vld [tilespmem:s15+$0x2380];
	v26 =	vmax.f32 v32, v35;
	v19 =	vmax.f32 v30, v54;
	v18 =	vmax.f32 v29, v28  }
0x99: {  	v14 =	vmax.f32 v20, v14;
	v19 =	vmax.f32 v19, v56;
	v28 =	vld [tilespmem:s15+$0x100];
	v18 =	vmax.f32 v18, v52  }
0x9a: {  	v18 =	vmax.f32 v18, v25;
	v19 =	vmax.f32 v19, v31;
	v4 =	vmax.f32 v4, v0;
	v0 =	vld [tilespmem:$0x1FEF0]  }
0x9b: {  	v17 =	vld [tilespmem:$0x1FF50];
	v18 =	vmax.f32 v18, v22;
	v19 =	vmax.f32 v19, v24;
	v22 =	vmax.f32 v26, v27  }
0x9c: {  	v20 =	vld [tilespmem:s15+$0x3280];
	v12 =	vsub.f32 v12, v18;
	v13 =	vsub.f32 v13, v19;
	v15 =	vmax.f32 v22, v15  }
0x9d: {  	v18 =	vld [tilespmem:s15+$0x3A80];
	v15 =	vmax.f32 v15, v21  }
0x9e: {  	v12 =	vand.u32 $0x7FFFFFFF, v12;
	v24 =	vld [tilespmem:s15+$0x3300];
	v13 =	vand.u32 $0x7FFFFFFF, v13;
	v15 =	vsub.f32 v28, v15  }
0x9f: {  	v12 =	vadd.f32 v13, v12;
	v0 =	vmax.f32 v10, v0;
	v10 =	vmax.f32 v50, v1;
	v1 =	vld [tilespmem:$0x1FF80]  }
0xa0: {  	v13 =	vand.u32 $0x7FFFFFFF, v15;
	v15 =	vld [tilespmem:$0x1FF70]  }
0xa1: {  	v12 =	vadd.f32 v13, v12;
	v13 =	vld [tilespmem:$0x1FF60]  }
0xa2: {  	v23 =	vmax.f32 v42, v23;
	v8 =	vmax.f32 v14, v8;
	v14 =	vld [tilespmem:s15+$0x3B00]  }
0xa3: {  	v9 =	vmax.f32 v23, v9  }
0xa4: {  	v19 =	vld [tilespmem:s15+$0x4280];
	v1 =	vmax.f32 v8, v1;
	v8 =	vmax.f32 v9, v20  }
0xa5: {  	v9 =	vld [tilespmem:s15+$0x4300];
	v1 =	vsub.f32 v15, v1;
	v8 =	vmax.f32 v8, v24  }
0xa6: {  	v15 =	vld [tilespmem:s15+$0x4A80];
	v8 =	vmax.f32 v8, v13;
	v13 =	vmax.f32 v16, v18  }
0xa7: {  	v1 =	vand.u32 $0x7FFFFFFF, v1;
	v8 =	vsub.f32 v17, v8;
	v13 =	vmax.f32 v13, v14;
	v14 =	vld [tilespmem:s15+$0x5280]  }
0xa8: {  	v1 =	vadd.f32 v1, v12;
	v12 =	vld [tilespmem:$0x1FF40]  }
0xa9: {  	v17 =	vld [tilespmem:$0x1FF30];
	v8 =	vand.u32 $0x7FFFFFFF, v8  }
0xaa: {  	v1 =	vadd.f32 v8, v1;
	v8 =	vld [tilespmem:$0x1FF20]  }
0xab: {  	v6 =	vmax.f32 v6, v15;
	v15 =	vld [tilespmem:$0x1FF10];
	_ =	sdelay $0x1  }
0xac: {  	v11 =	vmax.f32 v11, v19;
	v12 =	vmax.f32 v13, v12  }
0xad: {  	v16 =	vld [tilespmem:s15+$0x4B00];
	v9 =	vmax.f32 v11, v9;
	v12 =	vsub.f32 v17, v12  }
0xae: {  	v11 =	vld [tilespmem:s15+$0x5A80];
	v8 =	vmax.f32 v9, v8  }
0xaf: {  	v5 =	vmax.f32 v5, v14;
	v14 =	vld [tilespmem:$0x1FEE0];
	v12 =	vand.u32 $0x7FFFFFFF, v12;
	v8 =	vsub.f32 v15, v8  }
0xb0: {  	v1 =	vadd.f32 v12, v1;
	v12 =	vld [tilespmem:$0x1FF00]  }
0xb1: {  	v13 =	vld [tilespmem:s15+$0x5300];
	v8 =	vand.u32 $0x7FFFFFFF, v8  }
0xb2: {  	v1 =	vadd.f32 v8, v1;
	v8 =	vld [tilespmem:$0x1FED0]  }
0xb3: {  	v0 =	vmax.f32 v0, v11;
	v11 =	vld [tilespmem:$0x1FEB0]  }
0xb4: {  	v6 =	vmax.f32 v6, v16  }
0xb5: {  	v6 =	vmax.f32 v6, v12  }
0xb6: {  	v9 =	vld [tilespmem:s15+$0x5B00];
	v5 =	vmax.f32 v5, v13;
	v6 =	vsub.f32 v14, v6  }
0xb7: {  	v15 =	vld [tilespmem:s15+$0x6280];
	v5 =	vmax.f32 v5, v8  }
0xb8: {  	v13 =	vld [tilespmem:s15+$0x6A80];
	v6 =	vand.u32 $0x7FFFFFFF, v6;
	v5 =	vsub.f32 v11, v5  }
0xb9: {  	v1 =	vadd.f32 v6, v1;
	v6 =	vld [tilespmem:$0x1FE90]  }
0xba: {  	v12 =	vld [tilespmem:s15+$0x6300];
	v5 =	vand.u32 $0x7FFFFFFF, v5  }
0xbb: {  	v1 =	vadd.f32 v5, v1;
	v5 =	vld [tilespmem:$0x1FE50];
	_ =	sdelay $0x1  }
0xbc: {  	v0 =	vmax.f32 v0, v9  }
0xbd: {  	v11 =	vld [tilespmem:$0x1FE70];
	v0 =	vmax.f32 v0, v6;
	v6 =	vmax.f32 v10, v15  }
0xbe: {  	v8 =	vld [tilespmem:s15+$0x6B00];
	v6 =	vmax.f32 v6, v12  }
0xbf: {  	v5 =	vmax.f32 v6, v5;
	v6 =	vmax.f32 v60, v13;
	v13 =	vld [tilespmem:$0x1FE30]  }
0xc0: {  	v9 =	vld [tilespmem:s15+$0x7280]  }
0xc1: {  	v10 =	vld [tilespmem:s15+$0x7300]  }
0xc2: {  	v0 =	vsub.f32 v11, v0  }
0xc3: {  	v11 =	vld [tilespmem:s15+$0x7A80]  }
0xc4: {  	v12 =	vld [tilespmem:s15+$0x7B00];
	v0 =	vand.u32 $0x7FFFFFFF, v0;
	v6 =	vmax.f32 v6, v8;
	v5 =	vsub.f32 v13, v5  }
0xc5: {  	v8 =	vld [tilespmem:s15+$0x8280];
	v0 =	vadd.f32 v0, v1;
	v1 =	vmax.f32 v6, v63;
	v6 =	vmax.f32 v7, v9  }
0xc6: {  	v7 =	vld [tilespmem:s15+$0x8300];
	v1 =	vsub.f32 v61, v1;
	v6 =	vmax.f32 v6, v10;
	v5 =	vand.u32 $0x7FFFFFFF, v5  }
0xc7: {  	v9 =	vld [tilespmem:s15+$0x8A80];
	v0 =	vadd.f32 v5, v0;
	v5 =	vmax.f32 v6, v59  }
0xc8: {  	s17 =	sadd.s32 $0x80, s17;
	v10 =	vld [tilespmem:s15+$0x8B80];
	v4 =	vmax.f32 v4, v11;
	v1 =	vand.u32 $0x7FFFFFFF, v1;
	v5 =	vsub.f32 v58, v5  }
0xc9: {  	s18 =	sand.u32 $0x70, s16;
	s19 =	sand.u32 $0x400, s17;
	v4 =	vmax.f32 v4, v12;
	v6 =	vld [tilespmem:s15+$0x8B00];
	v0 =	vadd.f32 v1, v0  }
0xca: {  	v1 =	vmax.f32 v4, v57;
	v4 =	vld [tilespmem:s15+$0xB80];
	s15 =	sor.u32 s18, s19;
	v5 =	vand.u32 $0x7FFFFFFF, v5  }
0xcb: {  	v0 =	vadd.f32 v5, v0;
	v5 =	vld [tilespmem:s15+$0x8380];
	_ =	sdelay $0x4  }
0xcc: {  	[tilespmem:$0x1FDC0] =	vst v5;
	v5 =	vld [tilespmem:s15+$0xA80];
	_ =	sdelay $0x3  }
0xcd: {  	v3 =	vmax.f32 v49, v3  }
0xce: {  	v3 =	vmax.f32 v3, v8;
	[tilespmem:$0x1FD70] =	vst v5;
	v5 =	vld [tilespmem:s15+$0x8A00]  }
0xcf: {  	v3 =	vmax.f32 v3, v7;
	v1 =	vsub.f32 v55, v1  }
0xd0: {  	v2 =	vmax.f32 v2, v9;
	v3 =	vmax.f32 v3, v46  }
0xd1: {  	v3 =	vsub.f32 v51, v3;
	v1 =	vand.u32 $0x7FFFFFFF, v1;
	v2 =	vmax.f32 v2, v6  }
0xd2: {  	v0 =	vadd.f32 v1, v0;
	v1 =	vmax.f32 v2, v10  }
0xd3: {  	v1 =	vsub.f32 v4, v1;
	[tilespmem:$0x1FDE0] =	vst v5;
	v5 =	vand.u32 $0x7FFFFFFF, v3  }
0xd4: {  	v0 =	vadd.f32 v5, v0  }
0xd5: {  	v1 =	vand.u32 $0x7FFFFFFF, v1  }
0xd6: {  	v0 =	vadd.f32 v1, v0;
	_ =	sdelay $0x1  }
0xd7: {  	v47 =	vadd.f32 v0, v47;
	v0 =	vld [tilespmem:s15+$0x8180];
	_ =	sdelay $0x4  }
0xd8: {  	[tilespmem:$0x1FE00] =	vst v0;
	v0 =	vld [tilespmem:s15+$0x7A00];
	_ =	sdelay $0x4  }
0xd9: {  	[tilespmem:$0x1FE10] =	vst v0;
	v0 =	vld [tilespmem:s15+$0x7980];
	_ =	sdelay $0x4  }
0xda: {  	[tilespmem:$0x1FE20] =	vst v0;
	v0 =	vld [tilespmem:s15+$0x900];
	_ =	sdelay $0x4  }
0xdb: {  	[tilespmem:$0x1FE30] =	vst v0;
	v0 =	vld [tilespmem:s15+$0x7200];
	_ =	sdelay $0x1  }
0xdc: {  	v8 =	vld [tilespmem:s15+$0xB00]  }
0xdd: {  	v22 =	vld [tilespmem:s15+$0x8800]  }
0xde: {  	v24 =	vld [tilespmem:s15+$0x8880]  }
0xdf: {  	[tilespmem:$0x1FE40] =	vst v0;
	v0 =	vld [tilespmem:s15+$0x6380]  }
0xe0: {  	v27 =	vld [tilespmem:s15+$0x8000]  }
0xe1: {  	v28 =	vld [tilespmem:s15+$0x8080]  }
0xe2: {  	v25 =	vld [tilespmem:s15+$0x7900]  }
0xe3: {  	v30 =	vld [tilespmem:s15+$0x7800]  }
0xe4: {  	[tilespmem:$0x1FE50] =	vst v0;
	v0 =	vld [tilespmem:s15+$0x7180]  }
0xe5: {  	v31 =	vld [tilespmem:s15+$0x7880]  }
0xe6: {  	v26 =	vld [tilespmem:s15+$0x7100]  }
0xe7: {  	v33 =	vld [tilespmem:s15+$0x7000]  }
0xe8: {  	v34 =	vld [tilespmem:s15+$0x7080]  }
0xe9: {  	[tilespmem:$0x1FE60] =	vst v0;
	v0 =	vld [tilespmem:s15+$0x880]  }
0xea: {  	v29 =	vld [tilespmem:s15+$0x6900]  }
0xeb: {  	v7 =	vld [tilespmem:s15+$0x6180]  }
0xec: {  	v36 =	vld [tilespmem:s15+$0x6800]  }
0xed: {  	v37 =	vld [tilespmem:s15+$0x6880]  }
0xee: {  	[tilespmem:$0x1FE70] =	vst v0;
	v0 =	vld [tilespmem:s15+$0x6A00]  }
0xef: {  	v32 =	vld [tilespmem:s15+$0x6100]  }
0xf0: {  	v38 =	vld [tilespmem:s15+$0x6000]  }
0xf1: {  	v39 =	vld [tilespmem:s15+$0x6080]  }
0xf2: {  	v40 =	vld [tilespmem:s15+$0x5900]  }
0xf3: {  	[tilespmem:$0x1FE80] =	vst v0;
	v0 =	vld [tilespmem:s15+$0x5B80]  }
0xf4: {  	v15 =	vld [tilespmem:s15+$0x5180]  }
0xf5: {  	v41 =	vld [tilespmem:s15+$0x5800]  }
0xf6: {  	v42 =	vld [tilespmem:s15+$0x5880]  }
0xf7: {  	v43 =	vld [tilespmem:s15+$0x5100]  }
0xf8: {  	[tilespmem:$0x1FE90] =	vst v0;
	v0 =	vld [tilespmem:s15+$0x6980]  }
0xf9: {  	v18 =	vld [tilespmem:s15+$0x4980]  }
0xfa: {  	v44 =	vld [tilespmem:s15+$0x5000]  }
0xfb: {  	v45 =	vld [tilespmem:s15+$0x5080]  }
0xfc: {  	v11 =	vld [tilespmem:s15+$0x4200]  }
0xfd: {  	[tilespmem:$0x1FEA0] =	vst v0;
	v0 =	vld [tilespmem:s15+$0x800]  }
0xfe: {  	v19 =	vld [tilespmem:s15+$0x4180]  }
0xff: {  	v48 =	vld [tilespmem:s15+$0x4800]  }
0x100: {  	v50 =	vld [tilespmem:s15+$0x4880]  }
0x101: {  	v16 =	vld [tilespmem:s15+$0x3A00]  }
0x102: {  	[tilespmem:$0x1FEB0] =	vst v0;
	v0 =	vld [tilespmem:s15+$0x6200]  }
0x103: {  	v52 =	vld [tilespmem:s15+$0x4100]  }
0x104: {  	v21 =	vld [tilespmem:s15+$0x3980]  }
0x105: {  	v54 =	vld [tilespmem:s15+$0x4000]  }
0x106: {  	v56 =	vld [tilespmem:s15+$0x4080]  }
0x107: {  	[tilespmem:$0x1FEC0] =	vst v0;
	v0 =	vld [tilespmem:s15+$0x5380]  }
0x108: {  	v9 =	vld [tilespmem:s15+$0x3200]  }
0x109: {  	v60 =	vld [tilespmem:s15+$0x3900]  }
0x10a: {  	s31 =	sor.u32 s17, s16;
	v14 =	vld [tilespmem:s15+$0x2A80]  }
0x10b: {  	s18 =	sor.u32 $0x380, s31;
	v23 =	vld [tilespmem:s15+$0x3180]  }
0x10c: {  	[tilespmem:$0x1FED0] =	vst v0;
	v0 =	vld [tilespmem:s18+$0x0]  }
0x10d: {  	v62 =	vld [tilespmem:s15+$0x3800]  }
0x10e: {  	v46 =	vld [tilespmem:s15+$0x3880]  }
0x10f: {  	v12 =	vld [tilespmem:s15+$0x0]  }
0x110: {  	v13 =	vld [tilespmem:s15+$0x80]  }
0x111: {  	[tilespmem:$0x1FEE0] =	vst v0;
	v0 =	vld [tilespmem:s15+$0x5A00]  }
0x112: {  	v20 =	vld [tilespmem:s15+$0x2A00]  }
0x113: {  	v35 =	vld [tilespmem:s15+$0x3100]  }
0x114: {  	v49 =	vld [tilespmem:s15+$0x3000]  }
0x115: {  	v17 =	vld [tilespmem:s15+$0x3080]  }
0x116: {  	[tilespmem:$0x1FEF0] =	vst v0;
	v0 =	vld [tilespmem:s15+$0x4B80]  }
0x117: {  	v51 =	vld [tilespmem:s15+$0x2800]  }
0x118: {  	v53 =	vld [tilespmem:s15+$0x2880]  }
0x119: {  	v55 =	vld [tilespmem:s15+$0x2000]  }
0x11a: {  	v57 =	vld [tilespmem:s15+$0x2080]  }
0x11b: {  	[tilespmem:$0x1FF00] =	vst v0;
	v0 =	vld [tilespmem:s15+$0x300]  }
0x11c: {  	v58 =	vld [tilespmem:s15+$0x1000]  }
0x11d: {  	v59 =	vld [tilespmem:s15+$0x1080]  }
0x11e: {  	v61 =	vld [tilespmem:s15+$0x1800]  }
0x11f: {  	v63 =	vld [tilespmem:s15+$0x1880]  }
0x120: {  	[tilespmem:$0x1FF10] =	vst v0;
	v0 =	vld [tilespmem:s15+$0x4380]  }
0x121: {  	v6 =	vld [tilespmem:s15+$0x4A00]  }
0x122: {  	v2 =	vld [tilespmem:s15+$0x7B80]  }
0x123: {  	v10 =	vld [tilespmem:s15+$0x5980]  }
0x124: {  	v4 =	vld [tilespmem:s15+$0x8100]  }
0x125: {  	[tilespmem:$0x1FF20] =	vst v0;
	v0 =	vld [tilespmem:s15+$0x280]  }
0x126: {  	v24 =	vmax.f32 v22, v24;
	v22 =	vld [tilespmem:s15+$0x1380]  }
0x127: {  	v28 =	vmax.f32 v27, v28;
	v27 =	vmax.f32 v33, v34;
	v33 =	vld [tilespmem:s15+$0x2900]  }
0x128: {  	v34 =	vmax.f32 v44, v45;
	v44 =	vld [tilespmem:s15+$0x2100]  }
0x129: {  	v45 =	vmax.f32 v62, v46;
	v46 =	vmax.f32 v48, v50;
	v48 =	vld [tilespmem:s15+$0x1100]  }
0x12a: {  	[tilespmem:$0x1FF30] =	vst v0;
	v0 =	vld [tilespmem:s15+$0x3B80]  }
0x12b: {  	v62 =	vld [tilespmem:s15+$0x1900]  }
0x12c: {  	v38 =	vmax.f32 v38, v39;
	v27 =	vmax.f32 v27, v26;
	v26 =	vld [tilespmem:s15+$0x2980]  }
0x12d: {  	v38 =	vmax.f32 v38, v32;
	v32 =	vld [tilespmem:s15+$0x2180];
	[tilespmem:$0x1FD60] =	vst v2;
	v2 =	vmov v8  }
0x12e: {  	[tilespmem:$0x1FDD0] =	vst v2;
	v2 =	vld [tilespmem:s15+$0xA00]  }
0x12f: {  	[tilespmem:$0x1FF40] =	vst v0;
	v0 =	vld [tilespmem:s15+$0x200]  }
0x130: {  	v8 =	vld [tilespmem:s15+$0x2B00]  }
0x131: {  	v50 =	vmax.f32 v55, v57;
	v57 =	vld [tilespmem:$0x1FD60]  }
0x132: {  	v55 =	vld [tilespmem:$0x1FD70]  }
0x133: {  	[tilespmem:$0x1FD90] =	vst v2;
	v2 =	vld [tilespmem:s15+$0x8200]  }
0x134: {  	[tilespmem:$0x1FF50] =	vst v0;
	v0 =	vld [tilespmem:s15+$0x3380]  }
0x135: {  	v1 =	vld [tilespmem:s15+$0x8900]  }
0x136: {  	v3 =	vld [tilespmem:s15+$0x8980]  }
0x137: {  	v17 =	vmax.f32 v49, v17;
	v49 =	vmax.f32 v58, v59;
	v58 =	vld [tilespmem:$0x1FD90]  }
0x138: {  	[tilespmem:$0x1FDA0] =	vst v2;
	v2 =	vld [tilespmem:s15+$0x980]  }
0x139: {  	[tilespmem:$0x1FF60] =	vst v0;
	v0 =	vld [tilespmem:s15+$0x180]  }
0x13a: {  	[tilespmem:$0x1FDB0] =	vst v1;
	v1 =	vld [tilespmem:s15+$0x7380]  }
0x13b: {  	[tilespmem:$0x1FDF0] =	vst v3;
	v3 =	vld [tilespmem:s15+$0x6B80]  }
0x13c: {  	v5 =	vld [tilespmem:s15+$0x5200]  }
0x13d: {  	v51 =	vmax.f32 v51, v53;
	v53 =	vmax.f32 v61, v63;
	v61 =	vmov v2;
	v2 =	vld [tilespmem:$0x1FDB0]  }
0x13e: {  	[tilespmem:$0x1FF70] =	vst v0;
	v0 =	vld [tilespmem:s15+$0x2B80]  }
0x13f: {  	[tilespmem:$0x1FD80] =	vst v1;
	v1 =	vld [tilespmem:s15+$0x4900]  }
0x140: {  	v63 =	vmov v3;
	v3 =	vld [tilespmem:$0x1FDA0]  }
0x141: {  	v59 =	vld [tilespmem:$0x1FD80]  }
0x142: {  	p0 =	sne.s32 s16, $0xF0;
	v30 =	vmax.f32 v30, v31;
	v41 =	vmax.f32 v41, v42;
	v31 =	vmax.f32 v24, v2;
	v24 =	vld [tilespmem:s15+$0x1B80]  }
.Ltmp0:
0x143: {  	v42 =	vmax.f32 v54, v56;
	[tilespmem:$0x1FF80] =	vst v0;
	v0 =	vmax.f32 v36, v37;
	v36 =	vmax.f32 v30, v25;
	v25 =	vld [tilespmem:s15+$0x1300];
	(pc) =	sbr.rel @p0 .LBB2_2-.Ltmp0, $4  }
0x144: {  	v37 =	vmax.f32 v28, v4;
	v28 =	vmax.f32 v41, v40;
	v40 =	vmax.f32 v46, v1;
	v46 =	vld [tilespmem:$0x1FDC0]  }
0x145: {  	v44 =	vmax.f32 v50, v44;
	v41 =	vmax.f32 v34, v43;
	v30 =	vmax.f32 v51, v33;
	v51 =	vld [tilespmem:$0x1FDD0]  }
0x146: {  	v43 =	vmax.f32 v45, v60;
	v34 =	vmax.f32 v49, v48;
	v45 =	vld [tilespmem:s15+$0x1180];
	v33 =	vmax.f32 v53, v62  }
0x147: {  	s16 =	sadd.s32 $0x10, s16;
	v53 =	vld [tilespmem:$0x1FDE0];
	v39 =	vmax.f32 v0, v29;
	v29 =	vmax.f32 v42, v52;
	v42 =	vmax.f32 v17, v35  }
0x148: {  	v1 =	vld [tilespmem:s15+$0x2200];
	_ =	sdelay $0x4  }
0x149: {  	[tilespmem:$0x1F9F0] =	vst v1;
	v1 =	vld [tilespmem:s15+$0x1280];
	_ =	sdelay $0x4  }
0x14a: {  	[tilespmem:$0x1F9D0] =	vst v1;
	v1 =	vld [tilespmem:s15+$0x1200];
	_ =	sdelay $0x4  }
0x14b: {  	[tilespmem:$0x1F9B0] =	vst v1;
	v1 =	vld [tilespmem:s15+$0x1A00];
	_ =	sdelay $0x4  }
0x14c: {  	[tilespmem:$0x1F9C0] =	vst v1;
	v1 =	vld [tilespmem:s15+$0x1A80];
	_ =	sdelay $0x4  }
0x14d: {  	[tilespmem:$0x1F9E0] =	vst v1;
	v1 =	vld [tilespmem:s15+$0x1B00];
	_ =	sdelay $0x4  }
0x14e: {  	[tilespmem:$0x1FA00] =	vst v1;
	v1 =	vld [tilespmem:s15+$0x2280];
	_ =	sdelay $0x4  }
0x14f: {  	[tilespmem:$0x1FA10] =	vst v1;
	v1 =	vld [tilespmem:s15+$0x2300];
	_ =	sdelay $0x4  }
0x150: {  	[tilespmem:$0x1FA30] =	vst v1;
	v1 =	vld [tilespmem:s15+$0x2380];
	_ =	sdelay $0x4  }
0x151: {  	[tilespmem:$0x1FA40] =	vst v1;
	v1 =	vld [tilespmem:s15+$0x100];
	_ =	sdelay $0x4  }
0x152: {  	[tilespmem:$0x1FA50] =	vst v1;
	v1 =	vld [tilespmem:s15+$0x3300];
	_ =	sdelay $0x4  }
0x153: {  	[tilespmem:$0x1FA70] =	vst v1;
	v1 =	vld [tilespmem:s15+$0x3A80];
	_ =	sdelay $0x4  }
0x154: {  	[tilespmem:$0x1FA80] =	vst v1;
	v1 =	vld [tilespmem:s15+$0x3B00];
	_ =	sdelay $0x4  }
0x155: {  	[tilespmem:$0x1FA90] =	vst v1;
	v1 =	vld [tilespmem:s15+$0x4280];
	_ =	sdelay $0x4  }
0x156: {  	[tilespmem:$0x1FAA0] =	vst v1;
	v1 =	vld [tilespmem:s15+$0x4300];
	_ =	sdelay $0x4  }
0x157: {  	[tilespmem:$0x1FAB0] =	vst v1;
	v1 =	vld [tilespmem:s15+$0x4A80];
	_ =	sdelay $0x4  }
0x158: {  	[tilespmem:$0x1FAC0] =	vst v1;
	v1 =	vld [tilespmem:s15+$0x4B00];
	_ =	sdelay $0x4  }
0x159: {  	[tilespmem:$0x1FAD0] =	vst v1;
	v1 =	vld [tilespmem:s15+$0x5280];
	_ =	sdelay $0x4  }
0x15a: {  	[tilespmem:$0x1FAE0] =	vst v1;
	v1 =	vld [tilespmem:s15+$0x5300];
	_ =	sdelay $0x4  }
0x15b: {  	[tilespmem:$0x1FAF0] =	vst v1;
	v1 =	vld [tilespmem:s15+$0x5A80];
	_ =	sdelay $0x4  }
0x15c: {  	[tilespmem:$0x1FB00] =	vst v1;
	v1 =	vld [tilespmem:s15+$0x5B00];
	_ =	sdelay $0x4  }
0x15d: {  	[tilespmem:$0x1FB10] =	vst v1;
	v1 =	vld [tilespmem:s15+$0x6280];
	_ =	sdelay $0x4  }
0x15e: {  	[tilespmem:$0x1FB20] =	vst v1;
	v1 =	vld [tilespmem:s15+$0x6300];
	_ =	sdelay $0x4  }
0x15f: {  	[tilespmem:$0x1FB30] =	vst v1;
	v1 =	vld [tilespmem:s15+$0x6A80];
	_ =	sdelay $0x4  }
0x160: {  	[tilespmem:$0x1FB40] =	vst v1;
	v1 =	vld [tilespmem:s15+$0x6B00];
	_ =	sdelay $0x4  }
0x161: {  	[tilespmem:$0x1FB50] =	vst v1;
	v1 =	vld [tilespmem:s15+$0x7280];
	_ =	sdelay $0x4  }
0x162: {  	[tilespmem:$0x1FB60] =	vst v1;
	v1 =	vld [tilespmem:s15+$0x7300];
	_ =	sdelay $0x4  }
0x163: {  	[tilespmem:$0x1FB70] =	vst v1;
	v1 =	vld [tilespmem:s15+$0x7A80];
	_ =	sdelay $0x4  }
0x164: {  	[tilespmem:$0x1FB80] =	vst v1;
	v1 =	vld [tilespmem:s15+$0x7B00];
	_ =	sdelay $0x4  }
0x165: {  	[tilespmem:$0x1FB90] =	vst v1;
	v1 =	vld [tilespmem:s15+$0x8280];
	_ =	sdelay $0x4  }
0x166: {  	[tilespmem:$0x1FBA0] =	vst v1;
	v1 =	vld [tilespmem:s15+$0x8300];
	_ =	sdelay $0x4  }
0x167: {  	[tilespmem:$0x1FBB0] =	vst v1;
	v1 =	vld [tilespmem:s15+$0x8A80];
	_ =	sdelay $0x4  }
0x168: {  	[tilespmem:$0x1FBC0] =	vst v1;
	v1 =	vld [tilespmem:s15+$0x8B00];
	_ =	sdelay $0x4  }
0x169: {  	[tilespmem:$0x1FBD0] =	vst v1;
	v1 =	vld [tilespmem:s15+$0x8B80];
	_ =	sdelay $0x4  }
0x16a: {  	[tilespmem:$0x1FBE0] =	vst v1;
	v1 =	vld [tilespmem:s15+$0xB80];
	_ =	sdelay $0x4  }
0x16b: {  	v0 =	vld [tilespmem:s15+$0x1980];
	[tilespmem:$0x1FBF0] =	vst v1  }
0x16c: {  	v2 =	vld [tilespmem:s15+$0x3280];
	s16 =	simm.s32 $0x0;
	_ =	swait.ge [sflag:s11], $0x9000  }
0x16d: {  	s30 =	sand.u32 $0x70, s16;
	s17 =	sand.u32 $0x400, s16;
	[sflag:s11] =	ssyncset.done $0x0  }
0x16e: {  	s15 =	sor.u32 s30, s17;
	[sflag:s11] =	ssyncadd.s32 $0xFFFF7000  }
0x16f: {  	v1 =	vld [tilespmem:s15+$0x11A00];
	_ =	sdelay $0x4  }
0x170: {  	[tilespmem:$0x1F820] =	vst v1;
	v1 =	vld [tilespmem:s15+$0x11200];
	_ =	sdelay $0x4  }
0x171: {  	[tilespmem:$0x1F830] =	vst v1;
	v1 =	vld [tilespmem:s15+$0x11900];
	_ =	sdelay $0x4  }
0x172: {  	[tilespmem:$0x1FCC0] =	vst v1;
	v1 =	vld [tilespmem:s15+$0x11180];
	_ =	sdelay $0x4  }
0x173: {  	[tilespmem:$0x1F840] =	vst v1;
	v1 =	vld [tilespmem:s15+$0x11800];
	_ =	sdelay $0x4  }
0x174: {  	[tilespmem:$0x1FC20] =	vst v1;
	v1 =	vld [tilespmem:s15+$0x11880];
	_ =	sdelay $0x4  }
0x175: {  	[tilespmem:$0x1FC30] =	vst v1;
	v1 =	vld [tilespmem:s15+$0x10A00];
	_ =	sdelay $0x4  }
0x176: {  	[tilespmem:$0x1F850] =	vst v1;
	v1 =	vld [tilespmem:s15+$0x11100];
	_ =	sdelay $0x4  }
0x177: {  	[tilespmem:$0x1FCF0] =	vst v1;
	v1 =	vld [tilespmem:s15+$0x10980];
	_ =	sdelay $0x4  }
0x178: {  	[tilespmem:$0x1F860] =	vst v1;
	v1 =	vld [tilespmem:s15+$0x11000];
	_ =	sdelay $0x4  }
0x179: {  	[tilespmem:$0x1FC00] =	vst v1;
	v1 =	vld [tilespmem:s15+$0x11080];
	_ =	sdelay $0x4  }
0x17a: {  	[tilespmem:$0x1FC10] =	vst v1;
	v1 =	vld [tilespmem:s15+$0x9900];
	_ =	sdelay $0x4  }
0x17b: {  	[tilespmem:$0x1F870] =	vst v1;
	v1 =	vld [tilespmem:s15+$0x10200];
	_ =	sdelay $0x4  }
0x17c: {  	[tilespmem:$0x1F880] =	vst v1;
	v1 =	vld [tilespmem:s15+$0x10900];
	_ =	sdelay $0x4  }
0x17d: {  	[tilespmem:$0x1FCE0] =	vst v1;
	v1 =	vld [tilespmem:s15+$0xF380];
	_ =	sdelay $0x4  }
0x17e: {  	[tilespmem:$0x1F890] =	vst v1;
	v1 =	vld [tilespmem:s15+$0x10180];
	_ =	sdelay $0x4  }
0x17f: {  	[tilespmem:$0x1F8A0] =	vst v1;
	v1 =	vld [tilespmem:s15+$0x10800];
	_ =	sdelay $0x4  }
0x180: {  	[tilespmem:$0x1FC80] =	vst v1;
	v1 =	vld [tilespmem:s15+$0x10880];
	_ =	sdelay $0x4  }
0x181: {  	[tilespmem:$0x1FC90] =	vst v1;
	v1 =	vld [tilespmem:s15+$0x9880];
	_ =	sdelay $0x4  }
0x182: {  	[tilespmem:$0x1F8B0] =	vst v1;
	v1 =	vld [tilespmem:s15+$0xFA00];
	_ =	sdelay $0x4  }
0x183: {  	[tilespmem:$0x1F8C0] =	vst v1;
	v1 =	vld [tilespmem:s15+$0x10100];
	_ =	sdelay $0x4  }
0x184: {  	[tilespmem:$0x1FCD0] =	vst v1;
	v1 =	vld [tilespmem:s15+$0xEB80];
	_ =	sdelay $0x4  }
0x185: {  	[tilespmem:$0x1F8D0] =	vst v1;
	v1 =	vld [tilespmem:s15+$0xF980];
	_ =	sdelay $0x4  }
0x186: {  	[tilespmem:$0x1F8E0] =	vst v1;
	v1 =	vld [tilespmem:s15+$0x10000];
	_ =	sdelay $0x4  }
0x187: {  	[tilespmem:$0x1FC60] =	vst v1;
	v1 =	vld [tilespmem:s15+$0x10080];
	_ =	sdelay $0x4  }
0x188: {  	[tilespmem:$0x1FC70] =	vst v1;
	v1 =	vld [tilespmem:s15+$0x9800];
	_ =	sdelay $0x4  }
0x189: {  	[tilespmem:$0x1F8F0] =	vst v1;
	v1 =	vld [tilespmem:s15+$0xF200];
	_ =	sdelay $0x4  }
0x18a: {  	[tilespmem:$0x1F900] =	vst v1;
	v1 =	vld [tilespmem:s15+$0xF900];
	_ =	sdelay $0x4  }
0x18b: {  	[tilespmem:$0x1FD20] =	vst v1;
	v1 =	vld [tilespmem:s15+$0xE380];
	_ =	sdelay $0x4  }
0x18c: {  	[tilespmem:$0x1F910] =	vst v1;
	v1 =	vld [tilespmem:s15+$0xF180];
	_ =	sdelay $0x4  }
0x18d: {  	[tilespmem:$0x1F920] =	vst v1;
	v1 =	vld [tilespmem:s15+$0xF800];
	_ =	sdelay $0x4  }
0x18e: {  	[tilespmem:$0x1FC40] =	vst v1;
	v1 =	vld [tilespmem:s15+$0xF880];
	_ =	sdelay $0x2  }
0x18f: {  	s31 =	sor.u32 s16, s16  }
0x190: {  	s17 =	sor.u32 $0x380, s31  }
0x191: {  	[tilespmem:$0x1FC50] =	vst v1;
	v1 =	vld [tilespmem:s17+$0x9000];
	_ =	sdelay $0x4  }
0x192: {  	[tilespmem:$0x1F930] =	vst v1;
	v1 =	vld [tilespmem:s15+$0xEA00];
	_ =	sdelay $0x4  }
0x193: {  	[tilespmem:$0x1F940] =	vst v1;
	v1 =	vld [tilespmem:s15+$0xF100];
	_ =	sdelay $0x4  }
0x194: {  	[tilespmem:$0x1FD10] =	vst v1;
	v1 =	vld [tilespmem:s15+$0xDB80];
	_ =	sdelay $0x4  }
0x195: {  	[tilespmem:$0x1F950] =	vst v1;
	v1 =	vld [tilespmem:s15+$0xE980];
	_ =	sdelay $0x4  }
0x196: {  	[tilespmem:$0x1F960] =	vst v1;
	v1 =	vld [tilespmem:s15+$0xF000];
	_ =	sdelay $0x4  }
0x197: {  	[tilespmem:$0x1FCA0] =	vst v1;
	v1 =	vld [tilespmem:s15+$0xF080];
	_ =	sdelay $0x4  }
0x198: {  	[tilespmem:$0x1FCB0] =	vst v1;
	v1 =	vld [tilespmem:s15+$0x9300];
	_ =	sdelay $0x4  }
0x199: {  	[tilespmem:$0x1F970] =	vst v1;
	v1 =	vld [tilespmem:s15+$0xE200];
	_ =	sdelay $0x4  }
0x19a: {  	[tilespmem:$0x1F980] =	vst v1;
	v1 =	vld [tilespmem:$0x1FE20];
	_ =	sdelay $0x4  }
0x19b: {  	v17 =	vmax.f32 v36, v1;
	v1 =	vld [tilespmem:$0x1FE00];
	_ =	sdelay $0x4  }
0x19c: {  	v36 =	vmax.f32 v37, v1;
	v1 =	vld [tilespmem:$0x1FDF0];
	_ =	sdelay $0x4  }
0x19d: {  	v31 =	vmax.f32 v31, v1;
	v1 =	vld [tilespmem:s15+$0xE900];
	_ =	sdelay $0x4  }
0x19e: {  	[tilespmem:$0x1FD00] =	vst v1;
	v1 =	vld [tilespmem:$0x1FEA0];
	_ =	sdelay $0x4  }
0x19f: {  	v39 =	vmax.f32 v39, v1;
	v1 =	vld [tilespmem:$0x1FE60];
	_ =	sdelay $0x4  }
0x1a0: {  	v27 =	vmax.f32 v27, v1;
	v1 =	vld [tilespmem:s15+$0xD380];
	_ =	sdelay $0x4  }
0x1a1: {  	[tilespmem:$0x1F990] =	vst v1;
	v1 =	vld [tilespmem:$0x1FE80];
	_ =	sdelay $0x4  }
0x1a2: {  	v4 =	vmax.f32 v31, v53;
	v31 =	vmax.f32 v39, v1;
	v1 =	vld [tilespmem:$0x1FE40];
	_ =	sdelay $0x4  }
0x1a3: {  	v19 =	vmax.f32 v29, v19;
	v29 =	vmax.f32 v34, v45;
	v34 =	vmax.f32 v27, v1;
	v1 =	vld [tilespmem:$0x1FE10];
	_ =	sdelay $0x4  }
0x1a4: {  	v17 =	vmax.f32 v17, v1;
	v1 =	vld [tilespmem:$0x1FEF0];
	_ =	sdelay $0x3  }
0x1a5: {  	v10 =	vmax.f32 v28, v10  }
0x1a6: {  	v32 =	vmax.f32 v44, v32;
	v44 =	vmax.f32 v10, v1;
	v1 =	vld [tilespmem:$0x1FEC0];
	_ =	sdelay $0x3  }
0x1a7: {  	v37 =	vmax.f32 v38, v7  }
0x1a8: {  	v37 =	vmax.f32 v37, v1;
	v1 =	vld [tilespmem:s15+$0xCB80];
	_ =	sdelay $0x4  }
0x1a9: {  	[tilespmem:$0x1F9A0] =	vst v1;
	v1 =	vld [tilespmem:$0x1F9B0];
	_ =	sdelay $0x3  }
0x1aa: {  	v15 =	vmax.f32 v41, v15;
	v0 =	vmax.f32 v33, v0  }
0x1ab: {  	v33 =	vmax.f32 v36, v3;
	v36 =	vmax.f32 v15, v5;
	v5 =	vmax.f32 v29, v1;
	v1 =	vld [tilespmem:$0x1F9C0];
	_ =	sdelay $0x4  }
0x1ac: {  	v0 =	vmax.f32 v0, v1;
	v1 =	vld [tilespmem:$0x1F9D0];
	_ =	sdelay $0x4  }
0x1ad: {  	v5 =	vmax.f32 v5, v1;
	v1 =	vld [tilespmem:$0x1F9E0];
	_ =	sdelay $0x4  }
0x1ae: {  	v0 =	vmax.f32 v0, v1;
	v1 =	vld [tilespmem:$0x1F9F0];
	_ =	sdelay $0x3  }
0x1af: {  	v18 =	vmax.f32 v40, v18  }
0x1b0: {  	v6 =	vmax.f32 v18, v6;
	v18 =	vmax.f32 v32, v1;
	v1 =	vld [tilespmem:$0x1FA00];
	_ =	sdelay $0x4  }
0x1b1: {  	v0 =	vmax.f32 v0, v1;
	v1 =	vld [tilespmem:$0x1FA10];
	_ =	sdelay $0x2  }
0x1b2: {  	v40 =	vmax.f32 v43, v21;
	v30 =	vmax.f32 v30, v26  }
0x1b3: {  	v15 =	vmax.f32 v40, v16;
	v16 =	vmax.f32 v19, v11;
	v11 =	vmax.f32 v30, v20  }
0x1b4: {  	v11 =	vmax.f32 v11, v14;
	v14 =	vmax.f32 v18, v1;
	v1 =	vld [tilespmem:s15+$0x9200];
	_ =	sdelay $0x4  }
0x1b5: {  	[tilespmem:$0x1FA20] =	vst v1;
	v1 =	vld [tilespmem:$0x1FA30];
	_ =	sdelay $0x3  }
0x1b6: {  	v0 =	vmax.f32 v0, v24  }
0x1b7: {  	v0 =	vsub.f32 v13, v0;
	v13 =	vmax.f32 v14, v1;
	v1 =	vld [tilespmem:$0x1FA40];
	_ =	sdelay $0x4  }
0x1b8: {  	v13 =	vmax.f32 v13, v1;
	v1 =	vld [tilespmem:s15+$0xD900];
	_ =	sdelay $0x4  }
0x1b9: {  	[tilespmem:$0x1FD40] =	vst v1;
	v1 =	vld [tilespmem:$0x1FA50];
	_ =	sdelay $0x4  }
0x1ba: {  	v13 =	vsub.f32 v1, v13;
	v1 =	vld [tilespmem:s15+$0xC380];
	_ =	sdelay $0x4  }
0x1bb: {  	[tilespmem:$0x1FA60] =	vst v1;
	v1 =	vld [tilespmem:$0x1FF80];
	_ =	sdelay $0x2  }
0x1bc: {  	v28 =	vmax.f32 v42, v23  }
0x1bd: {  	v9 =	vmax.f32 v28, v9;
	v8 =	vmax.f32 v11, v8  }
0x1be: {  	v1 =	vmax.f32 v8, v1;
	v8 =	vmax.f32 v9, v2;
	v2 =	vld [tilespmem:$0x1FF70];
	_ =	sdelay $0x1  }
0x1bf: {  	v5 =	vmax.f32 v5, v25  }
0x1c0: {  	v5 =	vmax.f32 v5, v22  }
0x1c1: {  	v12 =	vsub.f32 v12, v5  }
0x1c2: {  	v1 =	vsub.f32 v2, v1;
	v2 =	vld [tilespmem:$0x1FA70]  }
0x1c3: {  	v11 =	vand.u32 $0x7FFFFFFF, v12;
	v0 =	vand.u32 $0x7FFFFFFF, v0  }
0x1c4: {  	v0 =	vadd.f32 v0, v11  }
0x1c5: {  	v9 =	vand.u32 $0x7FFFFFFF, v13  }
0x1c6: {  	v9 =	vadd.f32 v9, v0;
	v0 =	vld [tilespmem:$0x1FF60]  }
0x1c7: {  	v8 =	vmax.f32 v8, v2;
	v2 =	vld [tilespmem:$0x1FA80];
	_ =	sdelay $0x4  }
0x1c8: {  	v0 =	vmax.f32 v8, v0;
	v8 =	vmax.f32 v15, v2;
	v2 =	vld [tilespmem:$0x1FF50];
	_ =	sdelay $0x4  }
0x1c9: {  	v12 =	vsub.f32 v2, v0;
	v0 =	vld [tilespmem:$0x1FA90]  }
0x1ca: {  	v2 =	vld [tilespmem:$0x1FF40];
	_ =	sdelay $0x3  }
0x1cb: {  	v8 =	vmax.f32 v8, v0  }
0x1cc: {  	v8 =	vmax.f32 v8, v2;
	v2 =	vld [tilespmem:$0x1FAA0];
	_ =	sdelay $0x4  }
0x1cd: {  	v13 =	vmax.f32 v16, v2;
	v2 =	vld [tilespmem:$0x1FF30];
	_ =	sdelay $0x4  }
0x1ce: {  	v8 =	vsub.f32 v2, v8;
	v2 =	vld [tilespmem:$0x1FAB0];
	_ =	sdelay $0x4  }
0x1cf: {  	v13 =	vmax.f32 v13, v2;
	v2 =	vld [tilespmem:s15+$0xD100]  }
0x1d0: {  	v1 =	vand.u32 $0x7FFFFFFF, v1  }
0x1d1: {  	v1 =	vadd.f32 v1, v9  }
0x1d2: {  	v12 =	vand.u32 $0x7FFFFFFF, v12  }
0x1d3: {  	v12 =	vadd.f32 v12, v1;
	v1 =	vld [tilespmem:$0x1FF20]  }
0x1d4: {  	[tilespmem:$0x1FD30] =	vst v2;
	v2 =	vld [tilespmem:$0x1FF10];
	_ =	sdelay $0x3  }
0x1d5: {  	v13 =	vmax.f32 v13, v1;
	v1 =	vld [tilespmem:$0x1FAC0]  }
0x1d6: {  	v13 =	vsub.f32 v2, v13;
	v2 =	vld [tilespmem:$0x1FAD0];
	_ =	sdelay $0x3  }
0x1d7: {  	v6 =	vmax.f32 v6, v1  }
0x1d8: {  	v6 =	vmax.f32 v6, v2;
	v2 =	vld [tilespmem:$0x1FF00];
	_ =	sdelay $0x4  }
0x1d9: {  	v6 =	vmax.f32 v6, v2;
	v2 =	vld [tilespmem:$0x1FAE0];
	_ =	sdelay $0x3  }
0x1da: {  	v8 =	vand.u32 $0x7FFFFFFF, v8  }
0x1db: {  	v8 =	vadd.f32 v8, v12;
	v12 =	vmax.f32 v36, v2;
	v2 =	vld [tilespmem:$0x1FEE0];
	_ =	sdelay $0x4  }
0x1dc: {  	v14 =	vsub.f32 v2, v6;
	v2 =	vld [tilespmem:$0x1FAF0];
	_ =	sdelay $0x4  }
0x1dd: {  	v6 =	vmax.f32 v12, v2;
	v2 =	vld [tilespmem:$0x1FED0];
	_ =	sdelay $0x3  }
0x1de: {  	v12 =	vand.u32 $0x7FFFFFFF, v13  }
0x1df: {  	v12 =	vadd.f32 v12, v8;
	v8 =	vmax.f32 v6, v2;
	v2 =	vld [tilespmem:$0x1FB00];
	_ =	sdelay $0x4  }
0x1e0: {  	v13 =	vmax.f32 v44, v2;
	v2 =	vld [tilespmem:$0x1FEB0];
	_ =	sdelay $0x4  }
0x1e1: {  	v16 =	vsub.f32 v2, v8;
	v2 =	vld [tilespmem:$0x1FB10];
	_ =	sdelay $0x4  }
0x1e2: {  	v13 =	vmax.f32 v13, v2;
	v2 =	vld [tilespmem:$0x1FE90];
	_ =	sdelay $0x3  }
0x1e3: {  	v14 =	vand.u32 $0x7FFFFFFF, v14  }
0x1e4: {  	v14 =	vadd.f32 v14, v12;
	v12 =	vmax.f32 v13, v2;
	v2 =	vld [tilespmem:$0x1FB20];
	_ =	sdelay $0x4  }
0x1e5: {  	v13 =	vmax.f32 v37, v2;
	v2 =	vld [tilespmem:s15+$0xC900];
	_ =	sdelay $0x4  }
0x1e6: {  	[tilespmem:$0x1FD50] =	vst v2;
	v2 =	vld [tilespmem:$0x1FE70];
	_ =	sdelay $0x4  }
0x1e7: {  	v19 =	vsub.f32 v2, v12;
	v2 =	vld [tilespmem:$0x1FB30];
	_ =	sdelay $0x4  }
0x1e8: {  	v13 =	vmax.f32 v13, v2;
	v2 =	vld [tilespmem:$0x1FE50];
	_ =	sdelay $0x4  }
0x1e9: {  	v13 =	vmax.f32 v13, v2;
	v2 =	vld [tilespmem:$0x1FB40];
	_ =	sdelay $0x3  }
0x1ea: {  	v16 =	vand.u32 $0x7FFFFFFF, v16  }
0x1eb: {  	v14 =	vadd.f32 v16, v14;
	v16 =	vmax.f32 v31, v2;
	v2 =	vld [tilespmem:$0x1FE30];
	_ =	sdelay $0x4  }
0x1ec: {  	v13 =	vsub.f32 v2, v13;
	v2 =	vld [tilespmem:$0x1FB50];
	_ =	sdelay $0x4  }
0x1ed: {  	v16 =	vmax.f32 v16, v2;
	v2 =	vld [tilespmem:$0x1FB60];
	_ =	sdelay $0x3  }
0x1ee: {  	v19 =	vand.u32 $0x7FFFFFFF, v19  }
0x1ef: {  	v14 =	vadd.f32 v19, v14;
	v19 =	vmax.f32 v34, v2;
	v2 =	vld [tilespmem:$0x1FB70];
	_ =	sdelay $0x4  }
0x1f0: {  	v19 =	vmax.f32 v19, v2;
	v2 =	vld [tilespmem:$0x1FB80];
	_ =	sdelay $0x4  }
0x1f1: {  	v17 =	vmax.f32 v17, v2;
	v2 =	vld [tilespmem:$0x1FB90];
	_ =	sdelay $0x4  }
0x1f2: {  	v17 =	vmax.f32 v17, v2;
	v2 =	vld [tilespmem:$0x1FBA0];
	_ =	sdelay $0x4  }
0x1f3: {  	v33 =	vmax.f32 v33, v2;
	v2 =	vld [tilespmem:$0x1FBB0];
	_ =	sdelay $0x4  }
0x1f4: {  	v33 =	vmax.f32 v33, v2;
	v2 =	vld [tilespmem:$0x1FBC0]  }
0x1f5: {  	v3 =	vld [tilespmem:$0x1FBD0];
	_ =	sdelay $0x3  }
0x1f6: {  	v2 =	vmax.f32 v4, v2  }
0x1f7: {  	v2 =	vmax.f32 v2, v3;
	v3 =	vld [tilespmem:$0x1FBE0]  }
0x1f8: {  	v16 =	vmax.f32 v16, v63  }
0x1f9: {  	v43 =	vand.u32 $0x7FFFFFFF, v13;
	v16 =	vsub.f32 v61, v16  }
0x1fa: {  	v34 =	vadd.f32 v43, v14;
	v19 =	vmax.f32 v19, v59  }
0x1fb: {  	v44 =	vand.u32 $0x7FFFFFFF, v16;
	v19 =	vsub.f32 v58, v19  }
0x1fc: {  	v34 =	vadd.f32 v44, v34;
	v17 =	vmax.f32 v17, v57;
	v2 =	vmax.f32 v2, v3;
	v3 =	vld [tilespmem:$0x1FBF0]  }
0x1fd: {  	v19 =	vand.u32 $0x7FFFFFFF, v19;
	v17 =	vsub.f32 v55, v17  }
0x1fe: {  	v19 =	vadd.f32 v19, v34;
	v33 =	vmax.f32 v33, v46  }
0x1ff: {  	v17 =	vand.u32 $0x7FFFFFFF, v17;
	v33 =	vsub.f32 v51, v33  }
0x200: {  	v17 =	vadd.f32 v17, v19  }
0x201: {  	v19 =	vand.u32 $0x7FFFFFFF, v33;
	v2 =	vsub.f32 v3, v2  }
0x202: {  	v17 =	vadd.f32 v19, v17  }
0x203: {  	v2 =	vand.u32 $0x7FFFFFFF, v2  }
0x204: {  	v2 =	vadd.f32 v2, v17  }
0x205: {  	v3 =	vld [tilespmem:$0x1FC10]  }
0x206: {  	v41 =	vadd.f32 v2, v47;
	v2 =	vld [tilespmem:$0x1FC00];
	_ =	sdelay $0x4  }
0x207: {  	v51 =	vmax.f32 v2, v3;
	v2 =	vld [tilespmem:$0x1FC20]  }
0x208: {  	v3 =	vld [tilespmem:$0x1FC30];
	_ =	sdelay $0x3  }
0x209: {  	v49 =	vld [tilespmem:s15+$0x9B00]  }
0x20a: {  	v55 =	vmax.f32 v2, v3;
	v2 =	vld [tilespmem:$0x1FC40]  }
0x20b: {  	v3 =	vld [tilespmem:$0x1FC50]  }
0x20c: {  	v48 =	vld [tilespmem:s15+$0x11380]  }
0x20d: {  	v50 =	vld [tilespmem:s15+$0x9A80]  }
0x20e: {  	v52 =	vld [tilespmem:s15+$0x10B80]  }
0x20f: {  	v35 =	vld [tilespmem:s15+$0x11980]  }
0x210: {  	v58 =	vmax.f32 v2, v3;
	v2 =	vld [tilespmem:$0x1FC60]  }
0x211: {  	v3 =	vld [tilespmem:$0x1FC70]  }
0x212: {  	v54 =	vld [tilespmem:s15+$0x9A00]  }
0x213: {  	v56 =	vld [tilespmem:s15+$0x10380]  }
0x214: {  	v60 =	vld [tilespmem:s15+$0x9980]  }
0x215: {  	v62 =	vld [tilespmem:s15+$0xFB80]  }
0x216: {  	v61 =	vmax.f32 v2, v3;
	v2 =	vld [tilespmem:$0x1FC80]  }
0x217: {  	v3 =	vld [tilespmem:$0x1FC90]  }
0x218: {  	v21 =	vld [tilespmem:s15+$0xE800]  }
0x219: {  	v26 =	vld [tilespmem:s15+$0xE880]  }
0x21a: {  	v45 =	vld [tilespmem:s15+$0x9280]  }
0x21b: {  	v23 =	vld [tilespmem:s15+$0xC000]  }
0x21c: {  	v63 =	vmax.f32 v2, v3;
	v2 =	vld [tilespmem:$0x1FCA0]  }
0x21d: {  	v3 =	vld [tilespmem:$0x1FCB0]  }
0x21e: {  	v42 =	vld [tilespmem:s15+$0xB880]  }
0x21f: {  	v28 =	vld [tilespmem:s15+$0xA100]  }
0x220: {  	v27 =	vld [tilespmem:s15+$0xE000]  }
0x221: {  	v25 =	vld [tilespmem:s15+$0xE080]  }
0x222: {  	v20 =	vmax.f32 v2, v3;
	v2 =	vld [tilespmem:$0x1FCC0]  }
0x223: {  	v7 =	vld [tilespmem:s15+$0xE180]  }
0x224: {  	v38 =	vld [tilespmem:s15+$0xE100]  }
0x225: {  	v40 =	vld [tilespmem:s15+$0xD800]  }
0x226: {  	v34 =	vld [tilespmem:s15+$0xC080]  }
0x227: {  	v36 =	vmax.f32 v27, v25;
	v25 =	vmax.f32 v21, v26;
	v26 =	vmax.f32 v55, v2;
	v2 =	vld [tilespmem:$0x1FCD0]  }
0x228: {  	v30 =	vld [tilespmem:s15+$0xD080]  }
0x229: {  	v53 =	vld [tilespmem:s15+$0xDA00]  }
0x22a: {  	v10 =	vld [tilespmem:s15+$0xD980]  }
0x22b: {  	v29 =	vld [tilespmem:s15+$0xD000]  }
0x22c: {  	v27 =	vmax.f32 v23, v34;
	v23 =	vmax.f32 v61, v2;
	v2 =	vld [tilespmem:$0x1FCE0]  }
0x22d: {  	v22 =	vld [tilespmem:s15+$0xB800]  }
0x22e: {  	v5 =	vld [tilespmem:s15+$0xD200]  }
0x22f: {  	v32 =	vld [tilespmem:s15+$0xC880]  }
0x230: {  	v31 =	vld [tilespmem:s15+$0xC800]  }
0x231: {  	v29 =	vmax.f32 v29, v30;
	v30 =	vmax.f32 v63, v2;
	v2 =	vld [tilespmem:$0x1FCF0]  }
0x232: {  	v42 =	vmax.f32 v22, v42;
	v22 =	vld [tilespmem:s15+$0xB980]  }
0x233: {  	v24 =	vld [tilespmem:s15+$0xD880]  }
0x234: {  	v11 =	vld [tilespmem:s15+$0xD180]  }
0x235: {  	v18 =	vld [tilespmem:s15+$0xC180]  }
0x236: {  	v39 =	vmax.f32 v31, v32;
	v31 =	vmax.f32 v51, v2;
	v2 =	vld [tilespmem:$0x1FD00]  }
0x237: {  	v9 =	vld [tilespmem:s15+$0xCA00]  }
0x238: {  	v15 =	vld [tilespmem:s15+$0xC980]  }
0x239: {  	v0 =	vld [tilespmem:s15+$0x9180]  }
0x23a: {  	v1 =	vld [tilespmem:s15+$0xBB80]  }
0x23b: {  	v25 =	vmax.f32 v25, v2;
	v2 =	vld [tilespmem:$0x1FD10]  }
0x23c: {  	v21 =	vmax.f32 v40, v24;
	v40 =	vld [tilespmem:s15+$0xB100]  }
0x23d: {  	v6 =	vld [tilespmem:s15+$0xBB00]  }
0x23e: {  	v43 =	vld [tilespmem:s15+$0xB080]  }
0x23f: {  	v33 =	vld [tilespmem:s15+$0xB000]  }
0x240: {  	v32 =	vmax.f32 v20, v2;
	v2 =	vld [tilespmem:$0x1FD20]  }
0x241: {  	v8 =	vld [tilespmem:s15+$0xC200]  }
0x242: {  	v37 =	vld [tilespmem:s15+$0xB900]  }
0x243: {  	v12 =	vld [tilespmem:s15+$0xBA80]  }
0x244: {  	v13 =	vld [tilespmem:s15+$0x9000]  }
0x245: {  	v43 =	vmax.f32 v33, v43;
	v33 =	vmax.f32 v58, v2;
	v2 =	vld [tilespmem:$0x1FD30]  }
0x246: {  	v16 =	vld [tilespmem:s15+$0xBA00]  }
0x247: {  	v14 =	vld [tilespmem:s15+$0x9080]  }
0x248: {  	v57 =	vld [tilespmem:s15+$0xA880]  }
0x249: {  	v46 =	vld [tilespmem:s15+$0xA800]  }
0x24a: {  	v24 =	vmax.f32 v29, v2;
	v2 =	vld [tilespmem:$0x1FD40]  }
0x24b: {  	v44 =	vld [tilespmem:s15+$0xA000]  }
0x24c: {  	v17 =	vld [tilespmem:s15+$0xA080]  }
0x24d: {  	v59 =	vld [tilespmem:s15+$0xC100]  }
0x24e: {  	v46 =	vmax.f32 v46, v57;
	v57 =	vld [tilespmem:s15+$0xA900]  }
0x24f: {  	v34 =	vmax.f32 v21, v2;
	v2 =	vld [tilespmem:$0x1FD50]  }
0x250: {  	v19 =	vld [tilespmem:s15+$0xA380]  }
0x251: {  	v44 =	vmax.f32 v44, v17;
	v17 =	vld [tilespmem:s15+$0xAB80]  }
0x252: {  	v36 =	vmax.f32 v36, v38;
	v20 =	vld [tilespmem:s15+$0xA300]  }
0x253: {  	v40 =	vmax.f32 v43, v40;
	v21 =	vmax.f32 v42, v37;
	v37 =	vmax.f32 v27, v59;
	v27 =	vld [tilespmem:s15+$0xB180]  }
0x254: {  	s17 =	simm.s32 $0x10;
	v29 =	vmax.f32 v44, v28;
	v28 =	vmax.f32 v46, v57;
	v42 =	vld [tilespmem:s15+$0xA180];
	v39 =	vmax.f32 v39, v2  }
.LBB2_4:
0x255: {  	v2 =	vld [tilespmem:$0x1F860];
	_ =	sdelay $0x4  }
0x256: {  	v30 =	vmax.f32 v30, v2;
	v2 =	vld [tilespmem:$0x1F840];
	_ =	sdelay $0x4  }
0x257: {  	v31 =	vmax.f32 v31, v2;
	v2 =	vld [tilespmem:$0x1F920];
	_ =	sdelay $0x4  }
0x258: {  	v32 =	vmax.f32 v32, v2;
	v2 =	vld [tilespmem:$0x1F8E0];
	_ =	sdelay $0x4  }
0x259: {  	v33 =	vmax.f32 v33, v2;
	v2 =	vld [tilespmem:$0x1F8A0];
	_ =	sdelay $0x4  }
0x25a: {  	v23 =	vmax.f32 v23, v2;
	v2 =	vld [tilespmem:$0x1F960];
	_ =	sdelay $0x3  }
0x25b: {  	v3 =	vld [tilespmem:$0x1F8C0]  }
0x25c: {  	v25 =	vmax.f32 v25, v2;
	v2 =	vld [tilespmem:$0x1F830];
	_ =	sdelay $0x4  }
0x25d: {  	v4 =	vmax.f32 v31, v2;
	v31 =	vmax.f32 v33, v3;
	v3 =	vld [tilespmem:$0x1F880];
	_ =	sdelay $0x4  }
0x25e: {  	v34 =	vmax.f32 v34, v10;
	v10 =	vmax.f32 v23, v3;
	v3 =	vld [tilespmem:$0x1F850];
	_ =	sdelay $0x4  }
0x25f: {  	v36 =	vmax.f32 v36, v7;
	v7 =	vmax.f32 v30, v3;
	v3 =	vld [tilespmem:$0x1F980]  }
0x260: {  	v43 =	vld [tilespmem:s15+$0xA980]  }
0x261: {  	v46 =	vld [tilespmem:s15+$0xA280]  }
0x262: {  	v2 =	vld [tilespmem:$0x1F820]  }
0x263: {  	v47 =	vld [tilespmem:s15+$0xA200]  }
0x264: {  	v30 =	vmax.f32 v36, v3;
	v3 =	vld [tilespmem:$0x1F940]  }
0x265: {  	v11 =	vmax.f32 v24, v11;
	v24 =	vmax.f32 v29, v42;
	v29 =	vld [tilespmem:s15+$0xAA00]  }
0x266: {  	v26 =	vmax.f32 v26, v35;
	v21 =	vmax.f32 v21, v22;
	v22 =	vmax.f32 v28, v43;
	v28 =	vld [tilespmem:s15+$0xAA80]  }
0x267: {  	v2 =	vmax.f32 v26, v2;
	v26 =	vld [tilespmem:s15+$0xAB00]  }
0x268: {  	v44 =	vld [tilespmem:s15+$0xB200];
	v15 =	vmax.f32 v39, v15  }
0x269: {  	v9 =	vmax.f32 v15, v9;
	v25 =	vmax.f32 v25, v3;
	v3 =	vld [tilespmem:$0x1F900]  }
0x26a: {  	v61 =	vld [tilespmem:s15+$0xB300];
	v15 =	vmax.f32 v24, v47;
	v16 =	vmax.f32 v21, v16;
	v22 =	vmax.f32 v22, v29  }
0x26b: {  	v15 =	vmax.f32 v15, v46;
	v12 =	vmax.f32 v16, v12;
	v16 =	vld [tilespmem:s15+$0xC280];
	v21 =	vmax.f32 v22, v28  }
0x26c: {  	v15 =	vmax.f32 v15, v20;
	v23 =	vld [tilespmem:s15+$0xB280];
	v20 =	vmax.f32 v21, v26  }
0x26d: {  	v17 =	vmax.f32 v20, v17;
	v20 =	vld [tilespmem:s15+$0xC300]  }
0x26e: {  	v18 =	vmax.f32 v37, v18;
	v32 =	vmax.f32 v32, v3;
	v3 =	vld [tilespmem:$0x1FA60]  }
0x26f: {  	v27 =	vmax.f32 v40, v27;
	v24 =	vld [tilespmem:s15+$0xB380];
	v8 =	vmax.f32 v18, v8  }
0x270: {  	v6 =	vmax.f32 v12, v6;
	v15 =	vmax.f32 v15, v19;
	v22 =	vmax.f32 v27, v44;
	v27 =	vld [tilespmem:s15+$0x9100]  }
0x271: {  	v1 =	vmax.f32 v6, v1;
	v13 =	vsub.f32 v13, v15;
	v6 =	vmax.f32 v8, v16  }
0x272: {  	v0 =	vsub.f32 v0, v1;
	v19 =	vmax.f32 v22, v23;
	v1 =	vmax.f32 v6, v20  }
0x273: {  	v15 =	vmax.f32 v19, v61;
	v14 =	vsub.f32 v14, v17;
	v1 =	vmax.f32 v1, v3;
	v3 =	vld [tilespmem:$0x1FA20]  }
0x274: {  	v15 =	vmax.f32 v15, v24  }
0x275: {  	v13 =	vand.u32 $0x7FFFFFFF, v13;
	v15 =	vsub.f32 v27, v15;
	v14 =	vand.u32 $0x7FFFFFFF, v14  }
0x276: {  	v17 =	vld [tilespmem:s15+$0xCA80];
	v13 =	vadd.f32 v14, v13  }
0x277: {  	v12 =	vld [tilespmem:s15+$0xCB00];
	v14 =	vand.u32 $0x7FFFFFFF, v15  }
0x278: {  	v13 =	vadd.f32 v14, v13;
	v1 =	vsub.f32 v3, v1;
	v3 =	vld [tilespmem:$0x1F9A0]  }
0x279: {  	v0 =	vand.u32 $0x7FFFFFFF, v0  }
0x27a: {  	v18 =	vld [tilespmem:s15+$0xD280];
	v0 =	vadd.f32 v0, v13  }
0x27b: {  	v8 =	vld [tilespmem:s15+$0xD300];
	v9 =	vmax.f32 v9, v17;
	v1 =	vand.u32 $0x7FFFFFFF, v1  }
0x27c: {  	v9 =	vmax.f32 v9, v12;
	v0 =	vadd.f32 v1, v0;
	v1 =	vld [tilespmem:$0x1F990]  }
0x27d: {  	v9 =	vmax.f32 v9, v3;
	v3 =	vld [tilespmem:$0x1F970]  }
0x27e: {  	v5 =	vmax.f32 v11, v5  }
0x27f: {  	v5 =	vmax.f32 v5, v18  }
0x280: {  	v5 =	vmax.f32 v5, v8;
	v6 =	vld [tilespmem:s15+$0xDA80]  }
0x281: {  	v14 =	vld [tilespmem:s15+$0xDB00];
	v1 =	vmax.f32 v5, v1  }
0x282: {  	v1 =	vsub.f32 v3, v1;
	v3 =	vld [tilespmem:$0x1F950];
	_ =	sdelay $0x1  }
0x283: {  	v11 =	vmax.f32 v34, v53  }
0x284: {  	v5 =	vmax.f32 v11, v6  }
0x285: {  	v9 =	vsub.f32 v45, v9;
	v5 =	vmax.f32 v5, v14  }
0x286: {  	v5 =	vmax.f32 v5, v3;
	v3 =	vld [tilespmem:$0x1F930]  }
0x287: {  	v9 =	vand.u32 $0x7FFFFFFF, v9  }
0x288: {  	v12 =	vld [tilespmem:s15+$0xE280];
	v0 =	vadd.f32 v9, v0  }
0x289: {  	v13 =	vld [tilespmem:s15+$0xE300];
	v1 =	vand.u32 $0x7FFFFFFF, v1  }
0x28a: {  	v0 =	vadd.f32 v1, v0;
	v1 =	vld [tilespmem:$0x1F910]  }
0x28b: {  	v5 =	vsub.f32 v3, v5;
	v3 =	vld [tilespmem:$0x1F8F0];
	_ =	sdelay $0x1  }
0x28c: {  	v9 =	vmax.f32 v30, v12  }
0x28d: {  	v8 =	vld [tilespmem:s15+$0xEA80];
	v9 =	vmax.f32 v9, v13  }
0x28e: {  	v6 =	vld [tilespmem:s15+$0xEB00];
	v1 =	vmax.f32 v9, v1  }
0x28f: {  	v1 =	vsub.f32 v3, v1;
	v3 =	vld [tilespmem:$0x1F8D0];
	_ =	sdelay $0x2  }
0x290: {  	v8 =	vmax.f32 v25, v8  }
0x291: {  	v11 =	vld [tilespmem:s15+$0xF280];
	v6 =	vmax.f32 v8, v6;
	v5 =	vand.u32 $0x7FFFFFFF, v5  }
0x292: {  	v0 =	vadd.f32 v5, v0;
	v5 =	vmax.f32 v6, v3;
	v3 =	vld [tilespmem:$0x1F8B0]  }
0x293: {  	v12 =	vld [tilespmem:s15+$0xF300]  }
0x294: {  	v13 =	vld [tilespmem:s15+$0xFA80]  }
0x295: {  	v9 =	vld [tilespmem:s15+$0xFB00];
	v1 =	vand.u32 $0x7FFFFFFF, v1  }
0x296: {  	v0 =	vadd.f32 v1, v0;
	v1 =	vld [tilespmem:$0x1F890]  }
0x297: {  	v5 =	vsub.f32 v3, v5;
	v3 =	vld [tilespmem:$0x1F870]  }
0x298: {  	v8 =	vld [tilespmem:s15+$0x10280]  }
0x299: {  	v6 =	vmax.f32 v32, v11;
	v11 =	vld [tilespmem:s15+$0x10300]  }
0x29a: {  	v6 =	vmax.f32 v6, v12;
	v12 =	vld [tilespmem:s15+$0x10A80]  }
0x29b: {  	v1 =	vmax.f32 v6, v1;
	v6 =	vmax.f32 v31, v13;
	v13 =	vld [tilespmem:s15+$0x10B00]  }
0x29c: {  	v6 =	vmax.f32 v6, v9;
	v9 =	vld [tilespmem:s15+$0x11280];
	v5 =	vand.u32 $0x7FFFFFFF, v5;
	v1 =	vsub.f32 v3, v1  }
0x29d: {  	v0 =	vadd.f32 v5, v0;
	v5 =	vmax.f32 v6, v62;
	v6 =	vmax.f32 v10, v8;
	v8 =	vld [tilespmem:s15+$0x11300]  }
0x29e: {  	v10 =	vld [tilespmem:s15+$0x11A80];
	v5 =	vsub.f32 v60, v5;
	v6 =	vmax.f32 v6, v11;
	v1 =	vand.u32 $0x7FFFFFFF, v1  }
0x29f: {  	s16 =	sadd.s32 $0x80, s16;
	v11 =	vld [tilespmem:s15+$0x11B80];
	v0 =	vadd.f32 v1, v0;
	v1 =	vmax.f32 v6, v56;
	v6 =	vmax.f32 v7, v12  }
0x2a0: {  	s18 =	sand.u32 $0x70, s17;
	s19 =	sand.u32 $0x400, s16;
	v5 =	vand.u32 $0x7FFFFFFF, v5;
	v7 =	vld [tilespmem:s15+$0x11B00];
	v6 =	vmax.f32 v6, v13  }
0x2a1: {  	v1 =	vsub.f32 v54, v1;
	v0 =	vadd.f32 v5, v0;
	v5 =	vmax.f32 v6, v52;
	v6 =	vld [tilespmem:s15+$0x9B80];
	s15 =	sor.u32 s18, s19  }
0x2a2: {  	v4 =	vmax.f32 v4, v9;
	v9 =	vld [tilespmem:s15+$0x9B00]  }
0x2a3: {  	v4 =	vmax.f32 v4, v8;
	v1 =	vand.u32 $0x7FFFFFFF, v1  }
0x2a4: {  	v0 =	vadd.f32 v1, v0;
	v1 =	vmax.f32 v4, v48  }
0x2a5: {  	v5 =	vsub.f32 v50, v5;
	_ =	sdelay $0x1  }
0x2a6: {  	v4 =	vand.u32 $0x7FFFFFFF, v5;
	v5 =	vsub.f32 v49, v1;
	v1 =	vmov v9  }
0x2a7: {  	v2 =	vmax.f32 v2, v10;
	[tilespmem:$0x1F810] =	vst v1;
	v1 =	vld [tilespmem:s15+$0x9A00]  }
0x2a8: {  	v2 =	vmax.f32 v2, v7  }
0x2a9: {  	v0 =	vadd.f32 v4, v0;
	v2 =	vmax.f32 v2, v11  }
0x2aa: {  	v4 =	vand.u32 $0x7FFFFFFF, v5;
	v2 =	vsub.f32 v6, v2  }
0x2ab: {  	v0 =	vadd.f32 v4, v0  }
0x2ac: {  	[tilespmem:$0x1F7C0] =	vst v1;
	v1 =	vand.u32 $0x7FFFFFFF, v2  }
0x2ad: {  	v0 =	vadd.f32 v1, v0;
	_ =	sdelay $0x1  }
0x2ae: {  	v4 =	vadd.f32 v0, v41;
	v0 =	vld [tilespmem:s15+$0x11180];
	_ =	sdelay $0x4  }
0x2af: {  	[tilespmem:$0x1F840] =	vst v0;
	v0 =	vld [tilespmem:s15+$0x10A00];
	_ =	sdelay $0x4  }
0x2b0: {  	[tilespmem:$0x1F850] =	vst v0;
	v0 =	vld [tilespmem:s15+$0x10980];
	_ =	sdelay $0x4  }
0x2b1: {  	[tilespmem:$0x1F860] =	vst v0;
	v0 =	vld [tilespmem:s15+$0x9900];
	_ =	sdelay $0x2  }
0x2b2: {  	v3 =	vld [tilespmem:s15+$0x11380]  }
0x2b3: {  	v17 =	vld [tilespmem:s15+$0x10380]  }
0x2b4: {  	[tilespmem:$0x1F870] =	vst v0;
	v0 =	vld [tilespmem:s15+$0x10200]  }
0x2b5: {  	v19 =	vld [tilespmem:s15+$0x11800]  }
0x2b6: {  	v22 =	vld [tilespmem:s15+$0x11880]  }
0x2b7: {  	v20 =	vld [tilespmem:s15+$0x11100]  }
0x2b8: {  	v62 =	vld [tilespmem:s15+$0xFB80]  }
0x2b9: {  	[tilespmem:$0x1F880] =	vst v0;
	v0 =	vld [tilespmem:s15+$0xF380]  }
0x2ba: {  	v25 =	vld [tilespmem:s15+$0x11000]  }
0x2bb: {  	v26 =	vld [tilespmem:s15+$0x11080]  }
0x2bc: {  	v21 =	vld [tilespmem:s15+$0x10900]  }
0x2bd: {  	v27 =	vld [tilespmem:s15+$0x10800]  }
0x2be: {  	[tilespmem:$0x1F890] =	vst v0;
	v0 =	vld [tilespmem:s15+$0x10180]  }
0x2bf: {  	v28 =	vld [tilespmem:s15+$0x10880]  }
0x2c0: {  	v23 =	vld [tilespmem:s15+$0x10100]  }
0x2c1: {  	v30 =	vld [tilespmem:s15+$0x10000]  }
0x2c2: {  	v31 =	vld [tilespmem:s15+$0x10080]  }
0x2c3: {  	[tilespmem:$0x1F8A0] =	vst v0;
	v0 =	vld [tilespmem:s15+$0x9880]  }
0x2c4: {  	v24 =	vld [tilespmem:s15+$0xF900]  }
0x2c5: {  	v32 =	vld [tilespmem:s15+$0xF800]  }
0x2c6: {  	v33 =	vld [tilespmem:s15+$0xF880]  }
0x2c7: {  	v29 =	vld [tilespmem:s15+$0xF100]  }
0x2c8: {  	[tilespmem:$0x1F8B0] =	vst v0;
	v0 =	vld [tilespmem:s15+$0xFA00]  }
0x2c9: {  	v34 =	vld [tilespmem:s15+$0xF000]  }
0x2ca: {  	v36 =	vld [tilespmem:s15+$0xF080]  }
0x2cb: {  	v37 =	vld [tilespmem:s15+$0xE900]  }
0x2cc: {  	v39 =	vld [tilespmem:s15+$0xE800]  }
0x2cd: {  	[tilespmem:$0x1F8C0] =	vst v0;
	v0 =	vld [tilespmem:s15+$0xEB80]  }
0x2ce: {  	v40 =	vld [tilespmem:s15+$0xE880]  }
0x2cf: {  	v53 =	vld [tilespmem:s15+$0xDA00]  }
0x2d0: {  	v42 =	vld [tilespmem:s15+$0xE100]  }
0x2d1: {  	v10 =	vld [tilespmem:s15+$0xD980]  }
0x2d2: {  	[tilespmem:$0x1F8D0] =	vst v0;
	v0 =	vld [tilespmem:s15+$0xF980]  }
0x2d3: {  	v43 =	vld [tilespmem:s15+$0xE000]  }
0x2d4: {  	v44 =	vld [tilespmem:s15+$0xE080]  }
0x2d5: {  	v46 =	vld [tilespmem:s15+$0xD900]  }
0x2d6: {  	v51 =	vld [tilespmem:s15+$0xD800]  }
0x2d7: {  	[tilespmem:$0x1F8E0] =	vst v0;
	v0 =	vld [tilespmem:s15+$0x9800]  }
0x2d8: {  	v55 =	vld [tilespmem:s15+$0xD880]  }
0x2d9: {  	v57 =	vld [tilespmem:s15+$0xD100]  }
0x2da: {  	v15 =	vld [tilespmem:s15+$0xC980]  }
0x2db: {  	v58 =	vld [tilespmem:s15+$0xD000]  }
0x2dc: {  	[tilespmem:$0x1F8F0] =	vst v0;
	v0 =	vld [tilespmem:s15+$0xF200]  }
0x2dd: {  	v59 =	vld [tilespmem:s15+$0xD080]  }
0x2de: {  	v8 =	vld [tilespmem:s15+$0xC200]  }
0x2df: {  	v61 =	vld [tilespmem:s15+$0xC900]  }
0x2e0: {  	v12 =	vld [tilespmem:s15+$0xBA80]  }
0x2e1: {  	[tilespmem:$0x1F900] =	vst v0;
	v0 =	vld [tilespmem:s15+$0xE380]  }
0x2e2: {  	v18 =	vld [tilespmem:s15+$0xC180]  }
0x2e3: {  	v63 =	vld [tilespmem:s15+$0xC800]  }
0x2e4: {  	v35 =	vld [tilespmem:s15+$0xC880]  }
0x2e5: {  	v13 =	vld [tilespmem:s15+$0x9000]  }
0x2e6: {  	[tilespmem:$0x1F910] =	vst v0;
	v0 =	vld [tilespmem:s15+$0xF180]  }
0x2e7: {  	v14 =	vld [tilespmem:s15+$0x9080]  }
0x2e8: {  	v16 =	vld [tilespmem:s15+$0xBA00]  }
0x2e9: {  	s31 =	sor.u32 s16, s17;
	v38 =	vld [tilespmem:s15+$0xC100]  }
0x2ea: {  	s18 =	sor.u32 $0x380, s31;
	v47 =	vld [tilespmem:s15+$0xC080]  }
0x2eb: {  	[tilespmem:$0x1F920] =	vst v0;
	v0 =	vld [tilespmem:s18+$0x9000]  }
0x2ec: {  	v50 =	vld [tilespmem:s15+$0xB880]  }
0x2ed: {  	v52 =	vld [tilespmem:s15+$0xB000]  }
0x2ee: {  	v45 =	vld [tilespmem:s15+$0xB080]  }
0x2ef: {  	v54 =	vld [tilespmem:s15+$0xA000]  }
0x2f0: {  	[tilespmem:$0x1F930] =	vst v0;
	v0 =	vld [tilespmem:s15+$0xEA00]  }
0x2f1: {  	v56 =	vld [tilespmem:s15+$0xA080]  }
0x2f2: {  	v60 =	vld [tilespmem:s15+$0xA800]  }
0x2f3: {  	v48 =	vld [tilespmem:s15+$0xB800]  }
0x2f4: {  	v7 =	vld [tilespmem:s15+$0xE180]  }
0x2f5: {  	[tilespmem:$0x1F940] =	vst v0;
	v0 =	vld [tilespmem:s15+$0xDB80]  }
0x2f6: {  	v49 =	vld [tilespmem:s15+$0xA880]  }
0x2f7: {  	v11 =	vld [tilespmem:s15+$0xD180]  }
0x2f8: {  	v5 =	vld [tilespmem:s15+$0xD200]  }
0x2f9: {  	v6 =	vld [tilespmem:s15+$0xBB00]  }
0x2fa: {  	[tilespmem:$0x1F950] =	vst v0;
	v0 =	vld [tilespmem:s15+$0xE980]  }
0x2fb: {  	[tilespmem:$0x1F7E0] =	vst v3;
	v3 =	vld [tilespmem:s15+$0x9A80]  }
0x2fc: {  	v9 =	vld [tilespmem:s15+$0xCA00]  }
0x2fd: {  	v22 =	vmax.f32 v19, v22;
	v19 =	vld [tilespmem:s15+$0xA380]  }
0x2fe: {  	v27 =	vmax.f32 v27, v28;
	v28 =	vld [tilespmem:s15+$0xB900]  }
0x2ff: {  	[tilespmem:$0x1F960] =	vst v0;
	v0 =	vld [tilespmem:s15+$0x9300]  }
0x300: {  	v33 =	vmax.f32 v32, v33;
	v32 =	vmax.f32 v39, v40;
	v40 =	vld [tilespmem:s15+$0xB100]  }
0x301: {  	v43 =	vmax.f32 v43, v44;
	v44 =	vld [tilespmem:s15+$0xA100]  }
0x302: {  	v25 =	vmax.f32 v25, v26;
	v35 =	vmax.f32 v63, v35;
	v63 =	vld [tilespmem:s15+$0xA900]  }
0x303: {  	v30 =	vmax.f32 v30, v31;
	v31 =	vmax.f32 v25, v20;
	v20 =	vld [tilespmem:s15+$0xA300]  }
0x304: {  	v34 =	vmax.f32 v34, v36;
	[tilespmem:$0x1F970] =	vst v0;
	v0 =	vld [tilespmem:s15+$0xE200]  }
0x305: {  	v36 =	vmax.f32 v58, v59;
	v23 =	vmax.f32 v30, v23;
	v30 =	vmax.f32 v27, v21;
	v27 =	vld [tilespmem:s15+$0xB180]  }
0x306: {  	v33 =	vmax.f32 v33, v24;
	v24 =	vmax.f32 v36, v57;
	v36 =	vmax.f32 v43, v42;
	v42 =	vld [tilespmem:s15+$0xA180]  }
0x307: {  	v48 =	vmax.f32 v48, v50;
	[tilespmem:$0x1F800] =	vst v3;
	v3 =	vld [tilespmem:s15+$0x11A00]  }
0x308: {  	v21 =	vmax.f32 v48, v28;
	v48 =	vld [tilespmem:$0x1F7E0]  }
0x309: {  	v49 =	vmax.f32 v60, v49;
	[tilespmem:$0x1F980] =	vst v0;
	v0 =	vld [tilespmem:s15+$0xD380]  }
0x30a: {  	v28 =	vmax.f32 v49, v63;
	v49 =	vld [tilespmem:$0x1F810]  }
0x30b: {  	v2 =	vld [tilespmem:s15+$0x11200]  }
0x30c: {  	v50 =	vld [tilespmem:$0x1F800]  }
0x30d: {  	[tilespmem:$0x1F820] =	vst v3;
	v3 =	vld [tilespmem:s15+$0x10B80]  }
0x30e: {  	[tilespmem:$0x1F990] =	vst v0;
	v0 =	vld [tilespmem:s15+$0xCB80]  }
0x30f: {  	v1 =	vld [tilespmem:s15+$0x11900]  }
0x310: {  	v41 =	vld [tilespmem:s15+$0xC000]  }
0x311: {  	[tilespmem:$0x1F830] =	vst v2;
	v2 =	vld [tilespmem:s15+$0x9980]  }
0x312: {  	[tilespmem:$0x1F7B0] =	vst v3;
	v3 =	vld [tilespmem:s15+$0x11980]  }
0x313: {  	[tilespmem:$0x1F9A0] =	vst v0;
	v0 =	vld [tilespmem:s15+$0x9200]  }
0x314: {  	[tilespmem:$0x1F7D0] =	vst v1;
	v1 =	vld [tilespmem:s15+$0xBB80]  }
0x315: {  	v41 =	vmax.f32 v41, v47;
	v47 =	vmax.f32 v54, v56;
	v54 =	vld [tilespmem:$0x1F7C0]  }
0x316: {  	v60 =	vmov v2;
	v2 =	vld [tilespmem:$0x1F7D0]  }
0x317: {  	[tilespmem:$0x1F7F0] =	vst v3;
	v3 =	vld [tilespmem:s15+$0x9280]  }
0x318: {  	p0 =	sne.s32 s17, $0xF0;
	[tilespmem:$0x1FA20] =	vst v0;
	v0 =	vld [tilespmem:s15+$0xC380]  }
.Ltmp1:
0x319: {  	v56 =	vmov v17;
	v17 =	vld [tilespmem:s15+$0xAB80];
	(pc) =	sbr.rel @p0 .LBB2_4-.Ltmp1, $4  }
0x31a: {  	v39 =	vmax.f32 v51, v55;
	v45 =	vmax.f32 v52, v45;
	v52 =	vld [tilespmem:$0x1F7B0]  }
0x31b: {  	v25 =	vmax.f32 v32, v37;
	v32 =	vmax.f32 v34, v29;
	v26 =	vmax.f32 v22, v2;
	v22 =	vld [tilespmem:s15+$0xB980]  }
0x31c: {  	v34 =	vmax.f32 v39, v46;
	v39 =	vmax.f32 v35, v61;
	v40 =	vmax.f32 v45, v40;
	v35 =	vld [tilespmem:$0x1F7F0]  }
0x31d: {  	s17 =	sadd.s32 $0x10, s17;
	v37 =	vmax.f32 v41, v38;
	v29 =	vmax.f32 v47, v44;
	v41 =	vmovc v4;
	v45 =	vmov v3;
	[tilespmem:$0x1FA60] =	vst v0;
	v0 =	vld [tilespmem:s15+$0x9180]  }
0x31e: {  	v2 =	vld [tilespmem:$0x1F860]  }
0x31f: {  	v58 =	vld [tilespmem:$0x1F840]  }
0x320: {  	v59 =	vld [tilespmem:s15+$0xA980]  }
0x321: {  	v61 =	vld [tilespmem:$0x1F920]  }
0x322: {  	v63 =	vld [tilespmem:$0x1F8E0]  }
0x323: {  	v4 =	vld [tilespmem:$0x1F8A0]  }
0x324: {  	v38 =	vld [tilespmem:s15+$0xB200]  }
0x325: {  	v10 =	vmax.f32 v34, v10;
	v34 =	vld [tilespmem:$0x1F960]  }
0x326: {  	v7 =	vmax.f32 v36, v7;
	v36 =	vld [tilespmem:s15+$0xA280]  }
0x327: {  	v15 =	vmax.f32 v39, v15;
	v39 =	vld [tilespmem:s15+$0xA200]  }
0x328: {  	v27 =	vmax.f32 v40, v27;
	v40 =	vld [tilespmem:s15+$0xAA00]  }
0x329: {  	v29 =	vmax.f32 v29, v42;
	v42 =	vld [tilespmem:$0x1F830]  }
0x32a: {  	v43 =	vld [tilespmem:$0x1F820]  }
0x32b: {  	v44 =	vld [tilespmem:s15+$0xAA80]  }
0x32c: {  	v3 =	vld [tilespmem:$0x1F8C0]  }
0x32d: {  	v46 =	vld [tilespmem:$0x1F880]  }
0x32e: {  	v47 =	vld [tilespmem:$0x1F850]  }
0x32f: {  	v51 =	vld [tilespmem:s15+$0xAB00]  }
0x330: {  	v55 =	vld [tilespmem:$0x1F980]  }
0x331: {  	v57 =	vld [tilespmem:$0x1F940]  }
0x332: {  	v18 =	vmax.f32 v37, v18;
	v37 =	vld [tilespmem:s15+$0xC280]  }
0x333: {  	v11 =	vmax.f32 v24, v11;
	v24 =	vld [tilespmem:s15+$0xFA80]  }
0x334: {  	v10 =	vmax.f32 v10, v53;
	v53 =	vld [tilespmem:$0x1FA60]  }
0x335: {  	v8 =	vmax.f32 v18, v8;
	v18 =	vld [tilespmem:s15+$0xF280];
	v21 =	vmax.f32 v21, v22  }
0x336: {  	v16 =	vmax.f32 v21, v16;
	v21 =	vld [tilespmem:s15+$0xF300]  }
0x337: {  	v12 =	vmax.f32 v16, v12;
	v16 =	vld [tilespmem:s15+$0xEB00]  }
0x338: {  	v31 =	vmax.f32 v31, v58;
	v58 =	vld [tilespmem:$0x1F900]  }
0x339: {  	v28 =	vmax.f32 v28, v59;
	v59 =	vld [tilespmem:s15+$0xB280]  }
0x33a: {  	v32 =	vmax.f32 v32, v61;
	v61 =	vld [tilespmem:s15+$0xB300]  }
0x33b: {  	v33 =	vmax.f32 v33, v63;
	v63 =	vmax.f32 v29, v39;
	v29 =	vld [tilespmem:s15+$0x9100]  }
0x33c: {  	v26 =	vmax.f32 v26, v35;
	v39 =	vld [tilespmem:s15+$0xC300]  }
0x33d: {  	v30 =	vmax.f32 v30, v2;
	v2 =	vmax.f32 v26, v43;
	v43 =	vld [tilespmem:s15+$0xD280]  }
0x33e: {  	v7 =	vmax.f32 v7, v55;
	v55 =	vld [tilespmem:s15+$0xDB00]  }
0x33f: {  	v23 =	vmax.f32 v23, v4;
	v4 =	vmax.f32 v25, v34;
	v25 =	vld [tilespmem:$0x1F910]  }
0x340: {  	v9 =	vmax.f32 v15, v9;
	v5 =	vmax.f32 v11, v5;
	v34 =	vld [tilespmem:$0x1F8D0]  }
0x341: {  	v6 =	vmax.f32 v12, v6;
	v31 =	vmax.f32 v31, v42;
	v33 =	vmax.f32 v33, v3;
	v3 =	vld [tilespmem:s15+$0xB380]  }
0x342: {  	v23 =	vmax.f32 v23, v46;
	v4 =	vmax.f32 v4, v57;
	v22 =	vmax.f32 v28, v40;
	v40 =	vld [tilespmem:s15+$0xCA80]  }
0x343: {  	v15 =	vmax.f32 v63, v36;
	v28 =	vmax.f32 v27, v38;
	v42 =	vld [tilespmem:s15+$0xCB00];
	v22 =	vmax.f32 v22, v44  }
0x344: {  	v1 =	vmax.f32 v6, v1;
	v46 =	vld [tilespmem:s15+$0xD300];
	v15 =	vmax.f32 v15, v20;
	v36 =	vmax.f32 v22, v51  }
0x345: {  	v57 =	vld [tilespmem:$0x1FA20];
	v15 =	vmax.f32 v15, v19;
	v17 =	vmax.f32 v36, v17;
	v38 =	vmax.f32 v28, v59  }
0x346: {  	v51 =	vld [tilespmem:s15+$0xDA80];
	v13 =	vsub.f32 v13, v15;
	v14 =	vsub.f32 v14, v17;
	v11 =	vmax.f32 v38, v61  }
0x347: {  	v0 =	vsub.f32 v0, v1;
	v19 =	vld [tilespmem:$0x1F950];
	v11 =	vmax.f32 v11, v3  }
0x348: {  	v59 =	vld [tilespmem:$0x1F9A0];
	v13 =	vand.u32 $0x7FFFFFFF, v13;
	v14 =	vand.u32 $0x7FFFFFFF, v14;
	v11 =	vsub.f32 v29, v11  }
0x349: {  	v30 =	vmax.f32 v30, v47;
	v44 =	vmax.f32 v8, v37;
	v22 =	vld [tilespmem:$0x1F930];
	v13 =	vadd.f32 v14, v13  }
0x34a: {  	v0 =	vand.u32 $0x7FFFFFFF, v0;
	v6 =	vmax.f32 v44, v39;
	v14 =	vld [tilespmem:$0x1F990];
	v47 =	vand.u32 $0x7FFFFFFF, v11  }
0x34b: {  	v17 =	vld [tilespmem:$0x1F970];
	v6 =	vmax.f32 v6, v53;
	v9 =	vmax.f32 v9, v40;
	v1 =	vadd.f32 v47, v13  }
0x34c: {  	v32 =	vmax.f32 v32, v58;
	v58 =	vld [tilespmem:s15+$0xE280];
	v6 =	vsub.f32 v57, v6;
	v9 =	vmax.f32 v9, v42  }
0x34d: {  	v5 =	vmax.f32 v5, v43;
	v61 =	vld [tilespmem:s15+$0xE300];
	v0 =	vadd.f32 v0, v1;
	v1 =	vmax.f32 v9, v59  }
0x34e: {  	v63 =	vld [tilespmem:s15+$0xEA80];
	v5 =	vmax.f32 v5, v46;
	v6 =	vand.u32 $0x7FFFFFFF, v6;
	v1 =	vsub.f32 v45, v1  }
0x34f: {  	v28 =	vld [tilespmem:$0x1F8F0];
	v15 =	vmax.f32 v10, v51;
	v5 =	vmax.f32 v5, v14;
	v0 =	vadd.f32 v6, v0  }
0x350: {  	v27 =	vld [tilespmem:s15+$0xFB00];
	v5 =	vsub.f32 v17, v5;
	v6 =	vmax.f32 v15, v55;
	v1 =	vand.u32 $0x7FFFFFFF, v1  }
0x351: {  	v37 =	vld [tilespmem:$0x1F8B0];
	v20 =	vmax.f32 v7, v58;
	v0 =	vadd.f32 v1, v0;
	v1 =	vmax.f32 v6, v19  }
0x352: {  	v39 =	vld [tilespmem:$0x1F890];
	v5 =	vand.u32 $0x7FFFFFFF, v5;
	v6 =	vmax.f32 v20, v61;
	v1 =	vsub.f32 v22, v1  }
0x353: {  	v43 =	vld [tilespmem:$0x1F870];
	v4 =	vmax.f32 v4, v63;
	v26 =	vmax.f32 v6, v25;
	v0 =	vadd.f32 v5, v0  }
0x354: {  	v4 =	vmax.f32 v4, v16;
	v29 =	vld [tilespmem:s15+$0x10280];
	v5 =	vsub.f32 v28, v26;
	v1 =	vand.u32 $0x7FFFFFFF, v1  }
0x355: {  	v36 =	vld [tilespmem:s15+$0x10300];
	v35 =	vmax.f32 v32, v18;
	v0 =	vadd.f32 v1, v0;
	v1 =	vmax.f32 v4, v34  }
0x356: {  	v38 =	vld [tilespmem:s15+$0x10A80];
	v5 =	vand.u32 $0x7FFFFFFF, v5;
	v4 =	vmax.f32 v35, v21;
	v1 =	vsub.f32 v37, v1  }
0x357: {  	v40 =	vmax.f32 v33, v24;
	v42 =	vld [tilespmem:s15+$0x10B00];
	v4 =	vmax.f32 v4, v39;
	v0 =	vadd.f32 v5, v0  }
0x358: {  	v44 =	vld [tilespmem:s15+$0x11280];
	v4 =	vsub.f32 v43, v4;
	v5 =	vmax.f32 v40, v27;
	v1 =	vand.u32 $0x7FFFFFFF, v1  }
0x359: {  	v47 =	vld [tilespmem:s15+$0x11300];
	v46 =	vmax.f32 v23, v29;
	v45 =	vmax.f32 v5, v62;
	v0 =	vadd.f32 v1, v0  }
0x35a: {  	v51 =	vld [tilespmem:s15+$0x11A80];
	v5 =	vmax.f32 v46, v36;
	v1 =	vsub.f32 v60, v45;
	v4 =	vand.u32 $0x7FFFFFFF, v4  }
0x35b: {  	v55 =	vmax.f32 v30, v38;
	v53 =	vmax.f32 v5, v56;
	v56 =	vld [tilespmem:s15+$0x11B00];
	v0 =	vadd.f32 v4, v0  }
0x35c: {  	v57 =	vld [tilespmem:s15+$0x11B80];
	v5 =	vmax.f32 v55, v42;
	v4 =	vsub.f32 v54, v53;
	v1 =	vand.u32 $0x7FFFFFFF, v1  }
0x35d: {  	v59 =	vmax.f32 v31, v44;
	v60 =	vld [tilespmem:s15+$0x9B80];
	v58 =	vmax.f32 v5, v52;
	v0 =	vadd.f32 v1, v0  }
0x35e: {  	v5 =	vmax.f32 v59, v47;
	v1 =	vsub.f32 v50, v58;
	v4 =	vand.u32 $0x7FFFFFFF, v4  }
0x35f: {  	v2 =	vmax.f32 v2, v51;
	v61 =	vmax.f32 v5, v48;
	v0 =	vadd.f32 v4, v0  }
0x360: {  	v2 =	vmax.f32 v2, v56;
	v4 =	vsub.f32 v49, v61;
	v1 =	vand.u32 $0x7FFFFFFF, v1  }
0x361: {  	v62 =	vmax.f32 v2, v57;
	v0 =	vadd.f32 v1, v0  }
0x362: {  	v1 =	vsub.f32 v60, v62;
	v63 =	vand.u32 $0x7FFFFFFF, v4  }
0x363: {  	v0 =	vadd.f32 v63, v0  }
0x364: {  	v1 =	vand.u32 $0x7FFFFFFF, v1  }
0x365: {  	v0 =	vadd.f32 v1, v0;
	_ =	sdelay $0x1  }
0x366: {  	s14 =	sadd.s32 $0x1, s14;
	v0 =	vadd.f32 v0, v41  }
0x367: {  	p0 =	sne.s32 s14, s6  }
.Ltmp2:
0x368: {  	[tilespmem:$0x12000] =	vst v0;
	(pc) =	sbr.rel @p0 .LBB2_1-.Ltmp2, $4  }
0x369: {  	[hbm4b:s5+s2] =	stream.linear.scatter [tilespmem:s12], [sflag:$0x3], $0x80, $0x38;
	[tilespmem:$0x12080] =	vst v63  }
0x36a: {  	_ =	swait.ge [sflag:s13], $0x80  }
0x36b: {  	[sflag:s13] =	ssyncset.done $0x0  }
0x36c: {  	[sflag:s13] =	ssyncadd.s32 $0xFFFFFF80  }
0x36d: {  	_ =	sfence.sel $0x180000  }
0x36e: {  	[bflag:$0x0] =	sbarrier.arrive $0xFFFF  }
0x36f: {  	p0 =	sne.s32 s1, $0x0;
	_ =	strace $0x90000047  }
0x370: {  	s0 =	sadd.s32 @!p0 $0x100000, s0;
	[bflag:$0x2] =	sbarrier.arrive $0xFFFF  }
0x371: {  	[sflag:s0] =	ssyncadd.tile.s32 @!p0 $0x1;
	_ =	shalt  }
.Lfunc_end2:
_tile_overlayer_lowered:
.L_overlay_start_2:
0x372: {  	(tag) =	ssettag $0x2  }
0x373: {  	s0 =	rddreg [dreg:$0x0];
	s2 =	stileid.u32  }
0x374: {  	s1 =	rddreg [dreg:$0x1];
	p0 =	sne.s32 s2, $0x0  }
0x375: {  	s3 =	rddreg [dreg:$0x2];
	[bflag:$0x3] =	sbarrier.arrive $0xFFFF;
	s2 =	simm.s32 @!p0 $0x1C03  }
0x376: {  	[timem:s3], [sflag:s2] =	dma.local @!p0 [hbm:s0], s1  }
0x377: {  	s0 =	simm.s32 @!p0 $0x3  }
0x378: {  	_ =	swait.ge @!p0 [sflag:s0], s1  }
0x379: {  	s1 =	ssub.s32 @!p0 $0x0, s1;
	[sflag:s0] =	ssyncset.done @!p0 $0x0  }
0x37a: {  	[sflag:s0] =	ssyncadd.s32 @!p0 s1  }
0x37b: {  	[bflag:$0x3] =	sbarrier.arrive $0xFFFF  }
0x37c: {  	_ =	shalt  }

</sc_bundles>
